<compile_context>
chip_gen: v7x
topology: tpu7x:2x2x1
jax: 0.10.2.dev20260603
libtpu: 0.0.44.dev20260713+nightly
codegen_flags: <defaults>
</compile_context>

<pallas_src>
import functools

import jax
import jax.numpy as jnp
import numpy as np
from jax import lax
from jax.experimental import pallas as pl
from jax.experimental.pallas import tpu as pltpu
from jax.experimental.pallas import tpu_sc as plsc

_VOCAB_SIZES = [100003, 100019, 100043, 100057, 100069, 100103, 100109,
                100129, 100151, 100153, 100169, 100183, 100189, 100193,
                100207, 100213]
_OFFSETS = np.concatenate([[0], np.cumsum(_VOCAB_SIZES)[:-1]]).astype(np.int32)
_B, _S, _G, _D = 4, 2048, 2, 1024
_H = 16
_HD = 16
_E = _H * _HD
_K = 4
_DIL = 3
_PAD = (_K - 1) * _DIL
_EPS = 1e-6

_NW = 32
_NIDX = _B * _S * _H
_PERW = _NIDX // _NW
_CHUNK = 128
_NCHUNK = _PERW // _CHUNK


_V = sum(_VOCAB_SIZES)
_CV = 8192
_NCV = -(-_V // _CV)
_VP = _NCV * _CV


def _tc_prep(ids2):
    def body(i_ref, offs_ref, o_ref):
        x = i_ref[...] + offs_ref[...][0:1, :]
        x3 = x.reshape(_NIDX // 128, 8, _H)
        o_ref[...] = jnp.concatenate([x3[:, c, :] for c in range(8)], axis=1)

    offs8 = jnp.tile(jnp.asarray(_OFFSETS, dtype=jnp.int32)[None, :], (8, 1))
    return pl.pallas_call(
        body,
        in_specs=[pl.BlockSpec((_B * _S, _H), lambda: (0, 0)),
                  pl.BlockSpec((8, _H), lambda: (0, 0))],
        out_specs=pl.BlockSpec((_NIDX // 128, 128), lambda: (0, 0)),
        out_shape=jax.ShapeDtypeStruct((_NIDX // 128, 128), jnp.int32),
    )(ids2, offs8)


def _sc_gather(ids1, table):
    mesh = plsc.VectorSubcoreMesh(core_axis_name="c", subcore_axis_name="s")

    @functools.partial(
        pl.kernel,
        out_type=jax.ShapeDtypeStruct((_NIDX, _HD), jnp.float32),
        mesh=mesh,
        scratch_types=[
            pltpu.VMEM((_PERW,), jnp.int32),
            pltpu.VMEM((_PERW, _HD), jnp.float32),
            pltpu.SemaphoreType.DMA,
        ],
        compiler_params=pltpu.CompilerParams(use_tc_tiling_on_sc=False),
    )
    def k(ids_hbm, table_hbm, out_hbm, idx_v, rows_v, sem):
        wid = lax.axis_index("s") * 2 + lax.axis_index("c")
        base = wid * _PERW
        pltpu.sync_copy(ids_hbm.at[pl.ds(base, _PERW)], idx_v)

        def g_body(j, _):
            pltpu.async_copy(table_hbm.at[idx_v.at[pl.ds(j * _CHUNK, _CHUNK)]],
                             rows_v.at[pl.ds(j * _CHUNK, _CHUNK)], sem)
            return 0

        lax.fori_loop(0, _NCHUNK, g_body, 0)
        pltpu.make_async_copy(out_hbm.at[pl.ds(base, _PERW)], rows_v, sem).wait()
        pltpu.sync_copy(rows_v, out_hbm.at[pl.ds(base, _PERW)])

    return k(ids1, table)


_BLK = 512
_GD = _G * _D
_RSQD = float(1.0 / np.sqrt(_D))


def _tc_body(emb_ref, hid_ref, wk_ref, wv_ref, bk_ref, bv_ref, qks_ref,
             cs_ref, ck_ref, ones_ref, out_ref, carry_ref):
    @pl.when(pl.program_id(1) == 0)
    def _():
        carry_ref[...] = jnp.zeros_like(carry_ref)

    emb = emb_ref[0]
    ones = ones_ref[...]
    value = jnp.dot(emb, wv_ref[...], preferred_element_type=jnp.float32) + bv_ref[...]
    mv = jnp.dot(value * value, ones,
                 preferred_element_type=jnp.float32)[:, :1] * (1.0 / _D)
    ck = ck_ref[...]
    for g in range(_G):
        hg = hid_ref[0, :, g, :]
        kg = jnp.dot(emb, wk_ref[:, g, :],
                     preferred_element_type=jnp.float32) + bk_ref[g]
        hh = jnp.dot(hg * hg, ones, preferred_element_type=jnp.float32)[:, :1]
        kk = jnp.dot(kg * kg, ones, preferred_element_type=jnp.float32)[:, :1]
        hk = jnp.dot((hg * qks_ref[g]) * kg, ones,
                     preferred_element_type=jnp.float32)[:, :1]
        rh = lax.rsqrt(hh * (1.0 / _D) + _EPS)
        rk = lax.rsqrt(kk * (1.0 / _D) + _EPS)
        gate = jax.nn.sigmoid(hk * rh * rk * _RSQD)
        scale = gate * lax.rsqrt(gate * gate * mv + _EPS)
        xng = (value * cs_ref[g]) * scale
        win = jnp.concatenate([carry_ref[g], xng], axis=0)
        y = xng * ck[_K - 1, g]
        for j in range(_K - 1):
            y = y + win[j * _DIL: j * _DIL + _BLK, :] * ck[j, g]
        out_ref[0, :, g, :] = y * jax.nn.sigmoid(y)
        carry_ref[g] = xng[_BLK - _PAD:, :]


def _tc_fused(emb_flat, hid4, wk3, wv2, bk, bv2, qks, cs, ck3, ones):
    grid = (_B, _S // _BLK)
    return pl.pallas_call(
        _tc_body,
        grid=grid,
        in_specs=[
            pl.BlockSpec((1, _BLK, _E), lambda b, s: (b, s, 0)),
            pl.BlockSpec((1, _BLK, _G, _D), lambda b, s: (b, s, 0, 0)),
            pl.BlockSpec((_E, _G, _D), lambda b, s: (0, 0, 0)),
            pl.BlockSpec((_E, _D), lambda b, s: (0, 0)),
            pl.BlockSpec((_G, _D), lambda b, s: (0, 0)),
            pl.BlockSpec((1, _D), lambda b, s: (0, 0)),
            pl.BlockSpec((_G, _D), lambda b, s: (0, 0)),
            pl.BlockSpec((_G, _D), lambda b, s: (0, 0)),
            pl.BlockSpec((_K, _G, _D), lambda b, s: (0, 0, 0)),
            pl.BlockSpec((_D, 128), lambda b, s: (0, 0)),
        ],
        out_specs=pl.BlockSpec((1, _BLK, _G, _D), lambda b, s: (b, s, 0, 0)),
        out_shape=jax.ShapeDtypeStruct((_B, _S, _G, _D), jnp.float32),
        scratch_shapes=[pltpu.VMEM((_G, _PAD, _D), jnp.float32)],
    )(emb_flat, hid4, wk3, wv2, bk, bv2, qks, cs, ck3, ones)


def kernel(hidden_states, hash_input_ids, emb_table, W_k, b_k, W_v, b_v,
           q_scale, k_scale, conv_norm_scale, conv_kernel):
    ids2 = hash_input_ids.reshape(_B * _S, _H)
    sid1 = _tc_prep(ids2).reshape(_NIDX)
    emb_flat = _sc_gather(sid1, emb_table).reshape(_B, _S, _E)
    bv2 = b_v.reshape(1, _D)
    ck3 = conv_kernel.reshape(_K, _G, _D)
    qks = q_scale * k_scale
    ones = jnp.ones((_D, 128), dtype=jnp.float32)
    return _tc_fused(emb_flat, hidden_states, W_k, W_v, b_k, bv2,
                     qks, conv_norm_scale, ck3, ones)

# --- scband reference (transcript-rebuilt; emitter-appended) ---
"""Pipeline reference for scband-engram-63067299774780 (READ-ONLY COPY).

The authoritative reference and input builder live on the scoring server;
editing this copy changes nothing except your own understanding.
"""

import jax, jax.numpy as jnp
import numpy as np

VOCAB_SIZES = [100003, 100019, 100043, 100057, 100069, 100103, 100109, 100129, 100151, 100153, 100169, 100183, 100189, 100193, 100207, 100213]
OFFSETS = np.concatenate([[0], np.cumsum(VOCAB_SIZES)[:-1]]).astype(np.int64)
TOTAL_VOCAB = int(sum(VOCAB_SIZES))
B, S, G, D = 4, 2048, 2, 1024
H_TOTAL = 16
HEAD_DIM = 16
ENGRAM_DIM = H_TOTAL * HEAD_DIM  # 256
K_SIZE = 4
DILATION = 3  # = engram_max_ngram_size
EPS = 1e-6


def _rmsnorm(x, scale):
    var = jnp.mean(jnp.square(x), axis=-1, keepdims=True)
    return x * jax.lax.rsqrt(var + EPS) * scale


def setup_inputs(seed: int = 0) -> dict:
    key = jax.random.key(seed)
    ks = jax.random.split(key, 8)
    hidden_states = jax.random.normal(ks[0], (B, S, G, D), dtype=jnp.float32)
    hash_input_ids = jax.random.randint(ks[1], (B, S, H_TOTAL), 0, 100003, dtype=jnp.int32)
    emb_table = jax.random.normal(ks[2], (TOTAL_VOCAB, HEAD_DIM), dtype=jnp.float32) * 0.02
    W_k = jax.random.normal(ks[3], (ENGRAM_DIM, G, D), dtype=jnp.float32) * (1.0 / np.sqrt(ENGRAM_DIM))
    b_k = jnp.zeros((G, D), dtype=jnp.float32)
    W_v = jax.random.normal(ks[4], (ENGRAM_DIM, D), dtype=jnp.float32) * (1.0 / np.sqrt(ENGRAM_DIM))
    b_v = jnp.zeros((D,), dtype=jnp.float32)
    q_scale = jnp.ones((G, D), dtype=jnp.float32)
    k_scale = jnp.ones((G, D), dtype=jnp.float32)
    conv_norm_scale = jnp.ones((G, D), dtype=jnp.float32)
    conv_kernel = jax.random.normal(ks[5], (K_SIZE, G * D), dtype=jnp.float32) * 0.1
    return {
        'hidden_states': hidden_states,
        'hash_input_ids': hash_input_ids,
        'emb_table': emb_table,
        'W_k': W_k,
        'b_k': b_k,
        'W_v': W_v,
        'b_v': b_v,
        'q_scale': q_scale,
        'k_scale': k_scale,
        'conv_norm_scale': conv_norm_scale,
        'conv_kernel': conv_kernel,
    }


def reference(hidden_states, hash_input_ids, emb_table, W_k, b_k, W_v, b_v,
              q_scale, k_scale, conv_norm_scale, conv_kernel):
    # --- Multi-head embedding lookup: shift per-head ids into flattened table ---
    offsets = jnp.asarray(OFFSETS, dtype=hash_input_ids.dtype)
    shifted_ids = hash_input_ids + offsets  # [B, S, H_total]
    emb = jnp.take(emb_table, shifted_ids, axis=0)  # [B, S, H_total, D_head]
    emb_flat = emb.reshape(B, S, ENGRAM_DIM)  # [B, S, engram_dim]
    # --- Key / Value projections ---
    key_t = jnp.einsum('bse,egd->bsgd', emb_flat, W_k) + b_k  # [B, S, G, D]
    value = jnp.einsum('bse,ed->bsd', emb_flat, W_v) + b_v    # [B, S, D]
    # --- Context-aware gating: sim(RMSNorm(hidden) Q, RMSNorm(key) K) ---
    q = _rmsnorm(hidden_states, q_scale)  # [B, S, G, D]
    k = _rmsnorm(key_t, k_scale)          # [B, S, G, D]
    gate = jax.nn.sigmoid(jnp.sum(q * k, axis=-1, keepdims=True) / jnp.sqrt(jnp.float32(D)))
    x = gate * value[:, :, None, :]  # [B, S, G, D]
    # --- ShortConv: per-branch RMSNorm -> depthwise causal dilated conv -> SiLU ---
    xn = _rmsnorm(x, conv_norm_scale)
    x_flat = xn.reshape(B, S, G * D)
    pad = (K_SIZE - 1) * DILATION
    x_pad = jnp.pad(x_flat, ((0, 0), (pad, 0), (0, 0)))
    y = jnp.zeros_like(x_flat)
    for j in range(K_SIZE):
        y = y + x_pad[:, j * DILATION: j * DILATION + S, :] * conv_kernel[j]
    y = jax.nn.silu(y)
    return y.reshape(B, S, G, D)

if __name__ == "__main__":
    import jax
    _d = setup_inputs()
    print(jax.jit(kernel)(*tuple(_d.values())))

</pallas_src>

<mosaic_0001>
#map = affine_map<(d0, d1) -> (0)>
#map1 = affine_map<(d0, d1) -> (0, 0)>
module attributes {stable_mosaic.version = 14 : i64} {
  func.func @k(%arg0: i32, %arg1: i32, %arg2: memref<131072xi32, #tpu.memory_space<hbm>>, %arg3: memref<1601990x16xf32, #tpu.memory_space<hbm>>, %arg4: memref<131072x16xf32, #tpu.memory_space<hbm>>, %arg5: memref<4096xi32, #tpu.memory_space<vmem>>, %arg6: memref<4096x16xf32, #tpu.memory_space<vmem>>, %arg7: memref<!tpu.dma_semaphore, #tpu.memory_space<semaphore_mem>>) attributes {dimension_semantics = [#tpu.dimension_semantics<core_parallel>, #tpu.dimension_semantics<subcore_parallel>], iteration_bounds = array<i64: 2, 16>, scalar_prefetch = 0 : i64, scratch_operands = 3 : i64, tpu.core_type = #tpu.core_type<sc_vector_subcore>, window_params = [{transform_indices = #map}, {transform_indices = #map1}, {transform_indices = #map1}]} {
    %mul3A = arith.constant 2 : i32
    %mul3A_0 = arith.muli %arg1, %mul3A : i32
    %add3A = arith.addi %mul3A_0, %arg0 : i32
    %mul3A_1 = arith.constant 4096 : i32
    %mul3A_2 = arith.muli %add3A, %mul3A_1 : i32
    "tpu.region"() ({
      %run_scoped3A = tpu.sem_alloc : memref<!tpu.dma_semaphore, #tpu.memory_space<semaphore_mem>>
      %dma_start3A = tpu.memref_slice %arg2[%mul3A_2] : memref<131072xi32, #tpu.memory_space<hbm>> -> memref<4096xi32, #tpu.memory_space<hbm>>
      %dma_start3A_12 = tpu.memref_slice %arg2[%mul3A_2] : memref<131072xi32, #tpu.memory_space<hbm>> -> memref<4096xi32, #tpu.memory_space<hbm>>
      tpu.enqueue_dma source(%dma_start3A_12 : memref<4096xi32, #tpu.memory_space<hbm>>) target(%arg5 : memref<4096xi32, #tpu.memory_space<vmem>>) target_semaphore(%run_scoped3A : memref<!tpu.dma_semaphore, #tpu.memory_space<semaphore_mem>>)
      %dma_wait3A_13 = tpu.memref_slice %arg2[%mul3A_2] : memref<131072xi32, #tpu.memory_space<hbm>> -> memref<4096xi32, #tpu.memory_space<hbm>>
      %dma_wait3A_14 = tpu.memref_slice %arg2[%mul3A_2] : memref<131072xi32, #tpu.memory_space<hbm>> -> memref<4096xi32, #tpu.memory_space<hbm>>
      tpu.wait_dma2 semaphore(%run_scoped3A : memref<!tpu.dma_semaphore, #tpu.memory_space<semaphore_mem>>) src(%dma_wait3A_14 : memref<4096xi32, #tpu.memory_space<hbm>>) dst(%arg5 : memref<4096xi32, #tpu.memory_space<vmem>>)
      tpu.yield
    }) : () -> ()
    %scan3A = arith.constant 0 : i32
    %scan3A_3 = arith.constant 0 : i32
    %scan3A_4 = arith.constant 32 : i32
    %scan3A_5 = arith.addi %scan3A_3, %scan3A_4 : i32
    %scan3A_6 = arith.constant 1 : i32
    %scan3A_7 = scf.for %scan3A_12 = %scan3A_3 to %scan3A_5 step %scan3A_6 iter_args(%scan3A_13 = %scan3A) -> (i32)  : i32 {
      %mul3A_14 = arith.constant 128 : i32
      %mul3A_15 = arith.muli %scan3A_12, %mul3A_14 : i32
      %mul3A_16 = arith.constant 128 : i32
      %mul3A_17 = arith.muli %scan3A_12, %mul3A_16 : i32
      %dma_start3A = arith.constant 0 : i32
      %dma_start3A_18 = tpu.memref_slice %arg6[%mul3A_17, %dma_start3A] : memref<4096x16xf32, #tpu.memory_space<vmem>> -> memref<128x16xf32, #tpu.memory_space<vmem>>
      %dma_start3A_19 = tpu.memref_slice %arg5[%mul3A_15] : memref<4096xi32, #tpu.memory_space<vmem>> -> memref<128xi32, #tpu.memory_space<vmem>>
      %dma_start3A_20 = arith.constant 0 : i32
      %dma_start3A_21 = arith.constant 0 : i32
      %dma_start3A_22 = tpu.memref_slice %arg3[%dma_start3A_20, %dma_start3A_21] : memref<1601990x16xf32, #tpu.memory_space<hbm>> -> memref<1601990x16xf32, #tpu.memory_space<hbm>>
      tpu.enqueue_indirect_dma source(%dma_start3A_22 : memref<1601990x16xf32, #tpu.memory_space<hbm>>) target(%dma_start3A_18 : memref<128x16xf32, #tpu.memory_space<vmem>>) offsets(%dma_start3A_19 : memref<128xi32, #tpu.memory_space<vmem>>) semaphore(%arg7 : memref<!tpu.dma_semaphore, #tpu.memory_space<semaphore_mem>>)
      %scan3A_23 = arith.constant 0 : i32
      scf.yield %scan3A_23 : i32
    }
    %scan3A_8 = arith.constant 32 : i32
    %dma_wait3A = arith.constant 0 : i32
    %dma_wait3A_9 = tpu.memref_slice %arg4[%mul3A_2, %dma_wait3A] : memref<131072x16xf32, #tpu.memory_space<hbm>> -> memref<4096x16xf32, #tpu.memory_space<hbm>>
    %dma_wait3A_10 = arith.constant 0 : i32
    %dma_wait3A_11 = tpu.memref_slice %arg4[%mul3A_2, %dma_wait3A_10] : memref<131072x16xf32, #tpu.memory_space<hbm>> -> memref<4096x16xf32, #tpu.memory_space<hbm>>
    tpu.wait_dma2 semaphore(%arg7 : memref<!tpu.dma_semaphore, #tpu.memory_space<semaphore_mem>>) src(%dma_wait3A_11 : memref<4096x16xf32, #tpu.memory_space<hbm>>) dst(%arg6 : memref<4096x16xf32, #tpu.memory_space<vmem>>)
    "tpu.region"() ({
      %run_scoped3A = tpu.sem_alloc : memref<!tpu.dma_semaphore, #tpu.memory_space<semaphore_mem>>
      %dma_start3A = arith.constant 0 : i32
      %dma_start3A_12 = tpu.memref_slice %arg4[%mul3A_2, %dma_start3A] : memref<131072x16xf32, #tpu.memory_space<hbm>> -> memref<4096x16xf32, #tpu.memory_space<hbm>>
      %dma_start3A_13 = arith.constant 0 : i32
      %dma_start3A_14 = tpu.memref_slice %arg4[%mul3A_2, %dma_start3A_13] : memref<131072x16xf32, #tpu.memory_space<hbm>> -> memref<4096x16xf32, #tpu.memory_space<hbm>>
      tpu.enqueue_dma source(%arg6 : memref<4096x16xf32, #tpu.memory_space<vmem>>) target(%dma_start3A_14 : memref<4096x16xf32, #tpu.memory_space<hbm>>) target_semaphore(%run_scoped3A : memref<!tpu.dma_semaphore, #tpu.memory_space<semaphore_mem>>)
      %dma_wait3A_15 = arith.constant 0 : i32
      %dma_wait3A_16 = tpu.memref_slice %arg4[%mul3A_2, %dma_wait3A_15] : memref<131072x16xf32, #tpu.memory_space<hbm>> -> memref<4096x16xf32, #tpu.memory_space<hbm>>
      %dma_wait3A_17 = arith.constant 0 : i32
      %dma_wait3A_18 = tpu.memref_slice %arg4[%mul3A_2, %dma_wait3A_17] : memref<131072x16xf32, #tpu.memory_space<hbm>> -> memref<4096x16xf32, #tpu.memory_space<hbm>>
      tpu.wait_dma2 semaphore(%run_scoped3A : memref<!tpu.dma_semaphore, #tpu.memory_space<semaphore_mem>>) src(%arg6 : memref<4096x16xf32, #tpu.memory_space<vmem>>) dst(%dma_wait3A_18 : memref<4096x16xf32, #tpu.memory_space<hbm>>)
      tpu.yield
    }) : () -> ()
    return
  }
}

module attributes {stable_mosaic.version = 14 : i64} {
  func.func @body(%arg0: memref<8192x16xi32, #tpu.memory_space<vmem>>, %arg1: memref<8x16xi32, #tpu.memory_space<vmem>>, %arg2: memref<1024x128xi32, #tpu.memory_space<vmem>>) attributes {dimension_semantics = [], scalar_prefetch = 0 : i64, scratch_operands = 0 : i64, tpu.core_type = #tpu.core_type<tc>} {
    %get3A = arith.constant 0 : index
    %get3A_0 = arith.constant 0 : index
    %get3A_1 = vector.load %arg0[%get3A, %get3A_0] : memref<8192x16xi32, #tpu.memory_space<vmem>>, vector<8192x16xi32>
    %get3A_2 = arith.constant 0 : index
    %get3A_3 = arith.constant 0 : index
    %get3A_4 = vector.load %arg1[%get3A_2, %get3A_3] : memref<8x16xi32, #tpu.memory_space<vmem>>, vector<8x16xi32>
    %slice3A = vector.extract_strided_slice %get3A_4 {offsets = [0, 0], sizes = [1, 16], strides = [1, 1]} : vector<8x16xi32> to vector<1x16xi32>
    %add3A = vector.broadcast %slice3A : vector<1x16xi32> to vector<8192x16xi32>
    %add3A_5 = arith.addi %get3A_1, %add3A : vector<8192x16xi32>
    %reshape3A = vector.shape_cast %add3A_5 : vector<8192x16xi32> to vector<1024x8x16xi32>
    %slice3A_6 = vector.extract_strided_slice %reshape3A {offsets = [0, 0, 0], sizes = [1024, 1, 16], strides = [1, 1, 1]} : vector<1024x8x16xi32> to vector<1024x1x16xi32>
    %squeeze3A = vector.shape_cast %slice3A_6 : vector<1024x1x16xi32> to vector<1024x16xi32>
    %slice3A_7 = vector.extract_strided_slice %reshape3A {offsets = [0, 1, 0], sizes = [1024, 1, 16], strides = [1, 1, 1]} : vector<1024x8x16xi32> to vector<1024x1x16xi32>
    %squeeze3A_8 = vector.shape_cast %slice3A_7 : vector<1024x1x16xi32> to vector<1024x16xi32>
    %slice3A_9 = vector.extract_strided_slice %reshape3A {offsets = [0, 2, 0], sizes = [1024, 1, 16], strides = [1, 1, 1]} : vector<1024x8x16xi32> to vector<1024x1x16xi32>
    %squeeze3A_10 = vector.shape_cast %slice3A_9 : vector<1024x1x16xi32> to vector<1024x16xi32>
    %slice3A_11 = vector.extract_strided_slice %reshape3A {offsets = [0, 3, 0], sizes = [1024, 1, 16], strides = [1, 1, 1]} : vector<1024x8x16xi32> to vector<1024x1x16xi32>
    %squeeze3A_12 = vector.shape_cast %slice3A_11 : vector<1024x1x16xi32> to vector<1024x16xi32>
    %slice3A_13 = vector.extract_strided_slice %reshape3A {offsets = [0, 4, 0], sizes = [1024, 1, 16], strides = [1, 1, 1]} : vector<1024x8x16xi32> to vector<1024x1x16xi32>
    %squeeze3A_14 = vector.shape_cast %slice3A_13 : vector<1024x1x16xi32> to vector<1024x16xi32>
    %slice3A_15 = vector.extract_strided_slice %reshape3A {offsets = [0, 5, 0], sizes = [1024, 1, 16], strides = [1, 1, 1]} : vector<1024x8x16xi32> to vector<1024x1x16xi32>
    %squeeze3A_16 = vector.shape_cast %slice3A_15 : vector<1024x1x16xi32> to vector<1024x16xi32>
    %slice3A_17 = vector.extract_strided_slice %reshape3A {offsets = [0, 6, 0], sizes = [1024, 1, 16], strides = [1, 1, 1]} : vector<1024x8x16xi32> to vector<1024x1x16xi32>
    %squeeze3A_18 = vector.shape_cast %slice3A_17 : vector<1024x1x16xi32> to vector<1024x16xi32>
    %slice3A_19 = vector.extract_strided_slice %reshape3A {offsets = [0, 7, 0], sizes = [1024, 1, 16], strides = [1, 1, 1]} : vector<1024x8x16xi32> to vector<1024x1x16xi32>
    %squeeze3A_20 = vector.shape_cast %slice3A_19 : vector<1024x1x16xi32> to vector<1024x16xi32>
    %concatenate3A = tpu.concatenate %squeeze3A, %squeeze3A_8, %squeeze3A_10, %squeeze3A_12, %squeeze3A_14, %squeeze3A_16, %squeeze3A_18, %squeeze3A_20 in 1 : vector<1024x16xi32>, vector<1024x16xi32>, vector<1024x16xi32>, vector<1024x16xi32>, vector<1024x16xi32>, vector<1024x16xi32>, vector<1024x16xi32>, vector<1024x16xi32> -> vector<1024x128xi32>
    %swap3A = arith.constant 0 : index
    %swap3A_21 = arith.constant 0 : index
    %swap3A_22 = vector.load %arg2[%swap3A, %swap3A_21] : memref<1024x128xi32, #tpu.memory_space<vmem>>, vector<1024x128xi32>
    tpu.vector_store %arg2[%swap3A, %swap3A_21], %concatenate3A {strides = array<i32>} : memref<1024x128xi32, #tpu.memory_space<vmem>>, vector<1024x128xi32>,
    return
  }
}

module attributes {stable_mosaic.version = 14 : i64} {
  func.func @_tc_body(%arg0: i32, %arg1: i32, %arg2: memref<1x512x256xf32, #tpu.memory_space<vmem>>, %arg3: memref<1x512x2x1024xf32, #tpu.memory_space<vmem>>, %arg4: memref<256x2x1024xf32, #tpu.memory_space<vmem>>, %arg5: memref<256x1024xf32, #tpu.memory_space<vmem>>, %arg6: memref<2x1024xf32, #tpu.memory_space<vmem>>, %arg7: memref<1x1024xf32, #tpu.memory_space<vmem>>, %arg8: memref<2x1024xf32, #tpu.memory_space<vmem>>, %arg9: memref<2x1024xf32, #tpu.memory_space<vmem>>, %arg10: memref<4x2x1024xf32, #tpu.memory_space<vmem>>, %arg11: memref<1024x128xf32, #tpu.memory_space<vmem>>, %arg12: memref<1x512x2x1024xf32, #tpu.memory_space<vmem>>, %arg13: memref<2x9x1024xf32, #tpu.memory_space<vmem>>) attributes {dimension_semantics = [#tpu.dimension_semantics<arbitrary>, #tpu.dimension_semantics<arbitrary>], iteration_bounds = array<i64: 4, 4>, scalar_prefetch = 0 : i64, scratch_operands = 1 : i64, tpu.core_type = #tpu.core_type<tc>, window_params = [{transform_indices = @transform_0, window_bounds = array<i64: 1, 512, 256>}, {transform_indices = @transform_1, window_bounds = array<i64: 1, 512, 2, 1024>}, {pipeline_mode = #tpu.pipeline_mode<synchronous>, transform_indices = @transform_2, window_bounds = array<i64: 256, 2, 1024>}, {pipeline_mode = #tpu.pipeline_mode<synchronous>, transform_indices = @transform_3, window_bounds = array<i64: 256, 1024>}, {pipeline_mode = #tpu.pipeline_mode<synchronous>, transform_indices = @transform_4, window_bounds = array<i64: 2, 1024>}, {pipeline_mode = #tpu.pipeline_mode<synchronous>, transform_indices = @transform_5, window_bounds = array<i64: 1, 1024>}, {pipeline_mode = #tpu.pipeline_mode<synchronous>, transform_indices = @transform_6, window_bounds = array<i64: 2, 1024>}, {pipeline_mode = #tpu.pipeline_mode<synchronous>, transform_indices = @transform_7, window_bounds = array<i64: 2, 1024>}, {pipeline_mode = #tpu.pipeline_mode<synchronous>, transform_indices = @transform_8, window_bounds = array<i64: 4, 2, 1024>}, {pipeline_mode = #tpu.pipeline_mode<synchronous>, transform_indices = @transform_9, window_bounds = array<i64: 1024, 128>}, {transform_indices = @transform_10, window_bounds = array<i64: 1, 512, 2, 1024>}]} {
    %eq3A = arith.constant 0 : i32
    %eq3A_0 = arith.cmpi eq, %arg1, %eq3A : i32
    %convert_element_type3A = arith.extui %eq3A_0 : i1 to i32
    %cond3A = arith.constant 0 : i32
    %cond3A_1 = arith.cmpi ne, %convert_element_type3A, %cond3A : i32
    scf.if %cond3A_1 {
      %broadcast_in_dim3A_286 = arith.constant 0.000000e+00 : f32
      %broadcast_in_dim3A_287 = vector.broadcast %broadcast_in_dim3A_286 : f32 to vector<2x9x1024xf32>
      %swap3A_288 = arith.constant 0 : index
      %swap3A_289 = arith.constant 0 : index
      %swap3A_290 = arith.constant 0 : index
      %swap3A_291 = vector.load %arg13[%swap3A_288, %swap3A_289, %swap3A_290] : memref<2x9x1024xf32, #tpu.memory_space<vmem>>, vector<2x9x1024xf32>
      tpu.vector_store %arg13[%swap3A_288, %swap3A_289, %swap3A_290], %broadcast_in_dim3A_287 {strides = array<i32>} : memref<2x9x1024xf32, #tpu.memory_space<vmem>>, vector<2x9x1024xf32>,
    } else {
    }
    %get3A = arith.constant 0 : index
    %get3A_2 = arith.constant 0 : index
    %get3A_3 = arith.constant 0 : index
    %get3A_4 = vector.load %arg2[%get3A, %get3A_2, %get3A_3] : memref<1x512x256xf32, #tpu.memory_space<vmem>>, vector<1x512x256xf32>
    %get3A_5 = vector.shape_cast %get3A_4 : vector<1x512x256xf32> to vector<512x256xf32>
    %get3A_6 = arith.constant 0 : index
    %get3A_7 = arith.constant 0 : index
    %get3A_8 = vector.load %arg11[%get3A_6, %get3A_7] : memref<1024x128xf32, #tpu.memory_space<vmem>>, vector<1024x128xf32>
    %get3A_9 = arith.constant 0 : index
    %get3A_10 = arith.constant 0 : index
    %get3A_11 = vector.load %arg5[%get3A_9, %get3A_10] : memref<256x1024xf32, #tpu.memory_space<vmem>>, vector<256x1024xf32>
    %dot_general3A = arith.constant dense<0.000000e+00> : vector<512x1024xf32>
    %dot_general3A_12 = tpu.matmul %get3A_5, %get3A_11, %dot_general3A {dimension_numbers = #tpu.dot_dimension_numbers<[1], [0], [0], [1], [0, 0, 1, 1], [], []>, transpose_lhs_hint = false} : vector<512x256xf32>, vector<256x1024xf32>, vector<512x1024xf32> -> vector<512x1024xf32>
    %get3A_13 = arith.constant 0 : index
    %get3A_14 = arith.constant 0 : index
    %get3A_15 = vector.load %arg7[%get3A_13, %get3A_14] : memref<1x1024xf32, #tpu.memory_space<vmem>>, vector<1x1024xf32>
    %add3A = vector.broadcast %get3A_15 : vector<1x1024xf32> to vector<512x1024xf32>
    %add3A_16 = arith.addf %dot_general3A_12, %add3A : vector<512x1024xf32>
    %mul3A = arith.mulf %add3A_16, %add3A_16 : vector<512x1024xf32>
    %dot_general3A_17 = arith.constant dense<0.000000e+00> : vector<512x128xf32>
    %dot_general3A_18 = tpu.matmul %mul3A, %get3A_8, %dot_general3A_17 {dimension_numbers = #tpu.dot_dimension_numbers<[1], [0], [0], [1], [0, 0, 1, 1], [], []>, transpose_lhs_hint = false} : vector<512x1024xf32>, vector<1024x128xf32>, vector<512x128xf32> -> vector<512x128xf32>
    %slice3A = vector.extract_strided_slice %dot_general3A_18 {offsets = [0, 0], sizes = [512, 1], strides = [1, 1]} : vector<512x128xf32> to vector<512x1xf32>
    %mul3A_19 = arith.constant 9.765625E-4 : f32
    %mul3A_20 = vector.broadcast %mul3A_19 : f32 to vector<512x1xf32>
    %mul3A_21 = arith.mulf %slice3A, %mul3A_20 : vector<512x1xf32>
    %get3A_22 = arith.constant 0 : index
    %get3A_23 = arith.constant 0 : index
    %get3A_24 = arith.constant 0 : index
    %get3A_25 = vector.load %arg10[%get3A_22, %get3A_23, %get3A_24] : memref<4x2x1024xf32, #tpu.memory_space<vmem>>, vector<4x2x1024xf32>
    %get3A_26 = arith.constant 0 : index
    %get3A_27 = arith.constant 0 : index
    %get3A_28 = arith.constant 0 : index
    %get3A_29 = arith.constant 0 : index
    %get3A_30 = vector.load %arg3[%get3A_26, %get3A_27, %get3A_28, %get3A_29] : memref<1x512x2x1024xf32, #tpu.memory_space<vmem>>, vector<1x512x1x1024xf32>
    %get3A_31 = vector.shape_cast %get3A_30 : vector<1x512x1x1024xf32> to vector<512x1024xf32>
    %get3A_32 = arith.constant 0 : index
    %get3A_33 = arith.constant 0 : index
    %get3A_34 = arith.constant 0 : index
    %get3A_35 = vector.load %arg4[%get3A_32, %get3A_33, %get3A_34] : memref<256x2x1024xf32, #tpu.memory_space<vmem>>, vector<256x1x1024xf32>
    %get3A_36 = vector.shape_cast %get3A_35 : vector<256x1x1024xf32> to vector<256x1024xf32>
    %dot_general3A_37 = arith.constant dense<0.000000e+00> : vector<512x1024xf32>
    %dot_general3A_38 = tpu.matmul %get3A_5, %get3A_36, %dot_general3A_37 {dimension_numbers = #tpu.dot_dimension_numbers<[1], [0], [0], [1], [0, 0, 1, 1], [], []>, transpose_lhs_hint = false} : vector<512x256xf32>, vector<256x1024xf32>, vector<512x1024xf32> -> vector<512x1024xf32>
    %get3A_39 = arith.constant 0 : index
    %get3A_40 = arith.constant 0 : index
    %get3A_41 = vector.load %arg6[%get3A_39, %get3A_40] : memref<2x1024xf32, #tpu.memory_space<vmem>>, vector<1x1024xf32>
    %get3A_42 = vector.shape_cast %get3A_41 : vector<1x1024xf32> to vector<1024xf32>
    %broadcast_in_dim3A = vector.shape_cast %get3A_42 : vector<1024xf32> to vector<1x1024xf32>
    %add3A_43 = vector.broadcast %broadcast_in_dim3A : vector<1x1024xf32> to vector<512x1024xf32>
    %add3A_44 = arith.addf %dot_general3A_38, %add3A_43 : vector<512x1024xf32>
    %mul3A_45 = arith.mulf %get3A_31, %get3A_31 : vector<512x1024xf32>
    %dot_general3A_46 = arith.constant dense<0.000000e+00> : vector<512x128xf32>
    %dot_general3A_47 = tpu.matmul %mul3A_45, %get3A_8, %dot_general3A_46 {dimension_numbers = #tpu.dot_dimension_numbers<[1], [0], [0], [1], [0, 0, 1, 1], [], []>, transpose_lhs_hint = false} : vector<512x1024xf32>, vector<1024x128xf32>, vector<512x128xf32> -> vector<512x128xf32>
    %slice3A_48 = vector.extract_strided_slice %dot_general3A_47 {offsets = [0, 0], sizes = [512, 1], strides = [1, 1]} : vector<512x128xf32> to vector<512x1xf32>
    %mul3A_49 = arith.mulf %add3A_44, %add3A_44 : vector<512x1024xf32>
    %dot_general3A_50 = arith.constant dense<0.000000e+00> : vector<512x128xf32>
    %dot_general3A_51 = tpu.matmul %mul3A_49, %get3A_8, %dot_general3A_50 {dimension_numbers = #tpu.dot_dimension_numbers<[1], [0], [0], [1], [0, 0, 1, 1], [], []>, transpose_lhs_hint = false} : vector<512x1024xf32>, vector<1024x128xf32>, vector<512x128xf32> -> vector<512x128xf32>
    %slice3A_52 = vector.extract_strided_slice %dot_general3A_51 {offsets = [0, 0], sizes = [512, 1], strides = [1, 1]} : vector<512x128xf32> to vector<512x1xf32>
    %get3A_53 = arith.constant 0 : index
    %get3A_54 = arith.constant 0 : index
    %get3A_55 = vector.load %arg8[%get3A_53, %get3A_54] : memref<2x1024xf32, #tpu.memory_space<vmem>>, vector<1x1024xf32>
    %get3A_56 = vector.shape_cast %get3A_55 : vector<1x1024xf32> to vector<1024xf32>
    %broadcast_in_dim3A_57 = vector.shape_cast %get3A_56 : vector<1024xf32> to vector<1x1024xf32>
    %mul3A_58 = vector.broadcast %broadcast_in_dim3A_57 : vector<1x1024xf32> to vector<512x1024xf32>
    %mul3A_59 = arith.mulf %get3A_31, %mul3A_58 : vector<512x1024xf32>
    %mul3A_60 = arith.mulf %mul3A_59, %add3A_44 : vector<512x1024xf32>
    %dot_general3A_61 = arith.constant dense<0.000000e+00> : vector<512x128xf32>
    %dot_general3A_62 = tpu.matmul %mul3A_60, %get3A_8, %dot_general3A_61 {dimension_numbers = #tpu.dot_dimension_numbers<[1], [0], [0], [1], [0, 0, 1, 1], [], []>, transpose_lhs_hint = false} : vector<512x1024xf32>, vector<1024x128xf32>, vector<512x128xf32> -> vector<512x128xf32>
    %slice3A_63 = vector.extract_strided_slice %dot_general3A_62 {offsets = [0, 0], sizes = [512, 1], strides = [1, 1]} : vector<512x128xf32> to vector<512x1xf32>
    %mul3A_64 = arith.constant 9.765625E-4 : f32
    %mul3A_65 = vector.broadcast %mul3A_64 : f32 to vector<512x1xf32>
    %mul3A_66 = arith.mulf %slice3A_48, %mul3A_65 : vector<512x1xf32>
    %add3A_67 = arith.constant 9.99999997E-7 : f32
    %add3A_68 = vector.broadcast %add3A_67 : f32 to vector<512x1xf32>
    %add3A_69 = arith.addf %mul3A_66, %add3A_68 : vector<512x1xf32>
    %rsqrt3A = math.rsqrt %add3A_69 : vector<512x1xf32>
    %mul3A_70 = arith.constant 9.765625E-4 : f32
    %mul3A_71 = vector.broadcast %mul3A_70 : f32 to vector<512x1xf32>
    %mul3A_72 = arith.mulf %slice3A_52, %mul3A_71 : vector<512x1xf32>
    %add3A_73 = arith.constant 9.99999997E-7 : f32
    %add3A_74 = vector.broadcast %add3A_73 : f32 to vector<512x1xf32>
    %add3A_75 = arith.addf %mul3A_72, %add3A_74 : vector<512x1xf32>
    %rsqrt3A_76 = math.rsqrt %add3A_75 : vector<512x1xf32>
    %mul3A_77 = arith.mulf %slice3A_63, %rsqrt3A : vector<512x1xf32>
    %mul3A_78 = arith.mulf %mul3A_77, %rsqrt3A_76 : vector<512x1xf32>
    %mul3A_79 = arith.constant 3.125000e-02 : f32
    %mul3A_80 = vector.broadcast %mul3A_79 : f32 to vector<512x1xf32>
    %mul3A_81 = arith.mulf %mul3A_78, %mul3A_80 : vector<512x1xf32>
    %logistic3A = arith.negf %mul3A_81 : vector<512x1xf32>
    %logistic3A_82 = math.exp %logistic3A : vector<512x1xf32>
    %logistic3A_83 = arith.constant 1.000000e+00 : f32
    %logistic3A_84 = vector.broadcast %logistic3A_83 : f32 to vector<512x1xf32>
    %logistic3A_85 = arith.addf %logistic3A_84, %logistic3A_82 : vector<512x1xf32>
    %logistic3A_86 = arith.divf %logistic3A_84, %logistic3A_85 : vector<512x1xf32>
    %mul3A_87 = arith.mulf %logistic3A_86, %logistic3A_86 : vector<512x1xf32>
    %mul3A_88 = arith.mulf %mul3A_87, %mul3A_21 : vector<512x1xf32>
    %add3A_89 = arith.constant 9.99999997E-7 : f32
    %add3A_90 = vector.broadcast %add3A_89 : f32 to vector<512x1xf32>
    %add3A_91 = arith.addf %mul3A_88, %add3A_90 : vector<512x1xf32>
    %rsqrt3A_92 = math.rsqrt %add3A_91 : vector<512x1xf32>
    %mul3A_93 = arith.mulf %logistic3A_86, %rsqrt3A_92 : vector<512x1xf32>
    %get3A_94 = arith.constant 0 : index
    %get3A_95 = arith.constant 0 : index
    %get3A_96 = vector.load %arg9[%get3A_94, %get3A_95] : memref<2x1024xf32, #tpu.memory_space<vmem>>, vector<1x1024xf32>
    %get3A_97 = vector.shape_cast %get3A_96 : vector<1x1024xf32> to vector<1024xf32>
    %broadcast_in_dim3A_98 = vector.shape_cast %get3A_97 : vector<1024xf32> to vector<1x1024xf32>
    %mul3A_99 = vector.broadcast %broadcast_in_dim3A_98 : vector<1x1024xf32> to vector<512x1024xf32>
    %mul3A_100 = arith.mulf %add3A_16, %mul3A_99 : vector<512x1024xf32>
    %mul3A_101 = vector.broadcast %mul3A_93 : vector<512x1xf32> to vector<512x1024xf32>
    %mul3A_102 = arith.mulf %mul3A_100, %mul3A_101 : vector<512x1024xf32>
    %get3A_103 = arith.constant 0 : index
    %get3A_104 = arith.constant 0 : index
    %get3A_105 = arith.constant 0 : index
    %get3A_106 = vector.load %arg13[%get3A_103, %get3A_104, %get3A_105] : memref<2x9x1024xf32, #tpu.memory_space<vmem>>, vector<1x9x1024xf32>
    %get3A_107 = vector.shape_cast %get3A_106 : vector<1x9x1024xf32> to vector<9x1024xf32>
    %concatenate3A = tpu.concatenate %get3A_107, %mul3A_102 in 0 : vector<9x1024xf32>, vector<512x1024xf32> -> vector<521x1024xf32>
    %slice3A_108 = vector.extract_strided_slice %get3A_25 {offsets = [3, 0, 0], sizes = [1, 1, 1024], strides = [1, 1, 1]} : vector<4x2x1024xf32> to vector<1x1x1024xf32>
    %squeeze3A = vector.shape_cast %slice3A_108 : vector<1x1x1024xf32> to vector<1024xf32>
    %broadcast_in_dim3A_109 = vector.shape_cast %squeeze3A : vector<1024xf32> to vector<1x1024xf32>
    %mul3A_110 = vector.broadcast %broadcast_in_dim3A_109 : vector<1x1024xf32> to vector<512x1024xf32>
    %mul3A_111 = arith.mulf %mul3A_102, %mul3A_110 : vector<512x1024xf32>
    %slice3A_112 = vector.extract_strided_slice %concatenate3A {offsets = [0, 0], sizes = [512, 1024], strides = [1, 1]} : vector<521x1024xf32> to vector<512x1024xf32>
    %slice3A_113 = vector.extract_strided_slice %get3A_25 {offsets = [0, 0, 0], sizes = [1, 1, 1024], strides = [1, 1, 1]} : vector<4x2x1024xf32> to vector<1x1x1024xf32>
    %squeeze3A_114 = vector.shape_cast %slice3A_113 : vector<1x1x1024xf32> to vector<1024xf32>
    %broadcast_in_dim3A_115 = vector.shape_cast %squeeze3A_114 : vector<1024xf32> to vector<1x1024xf32>
    %mul3A_116 = vector.broadcast %broadcast_in_dim3A_115 : vector<1x1024xf32> to vector<512x1024xf32>
    %mul3A_117 = arith.mulf %slice3A_112, %mul3A_116 : vector<512x1024xf32>
    %add3A_118 = arith.addf %mul3A_111, %mul3A_117 : vector<512x1024xf32>
    %slice3A_119 = vector.extract_strided_slice %concatenate3A {offsets = [3, 0], sizes = [512, 1024], strides = [1, 1]} : vector<521x1024xf32> to vector<512x1024xf32>
    %slice3A_120 = vector.extract_strided_slice %get3A_25 {offsets = [1, 0, 0], sizes = [1, 1, 1024], strides = [1, 1, 1]} : vector<4x2x1024xf32> to vector<1x1x1024xf32>
    %squeeze3A_121 = vector.shape_cast %slice3A_120 : vector<1x1x1024xf32> to vector<1024xf32>
    %broadcast_in_dim3A_122 = vector.shape_cast %squeeze3A_121 : vector<1024xf32> to vector<1x1024xf32>
    %mul3A_123 = vector.broadcast %broadcast_in_dim3A_122 : vector<1x1024xf32> to vector<512x1024xf32>
    %mul3A_124 = arith.mulf %slice3A_119, %mul3A_123 : vector<512x1024xf32>
    %add3A_125 = arith.addf %add3A_118, %mul3A_124 : vector<512x1024xf32>
    %slice3A_126 = vector.extract_strided_slice %concatenate3A {offsets = [6, 0], sizes = [512, 1024], strides = [1, 1]} : vector<521x1024xf32> to vector<512x1024xf32>
    %slice3A_127 = vector.extract_strided_slice %get3A_25 {offsets = [2, 0, 0], sizes = [1, 1, 1024], strides = [1, 1, 1]} : vector<4x2x1024xf32> to vector<1x1x1024xf32>
    %squeeze3A_128 = vector.shape_cast %slice3A_127 : vector<1x1x1024xf32> to vector<1024xf32>
    %broadcast_in_dim3A_129 = vector.shape_cast %squeeze3A_128 : vector<1024xf32> to vector<1x1024xf32>
    %mul3A_130 = vector.broadcast %broadcast_in_dim3A_129 : vector<1x1024xf32> to vector<512x1024xf32>
    %mul3A_131 = arith.mulf %slice3A_126, %mul3A_130 : vector<512x1024xf32>
    %add3A_132 = arith.addf %add3A_125, %mul3A_131 : vector<512x1024xf32>
    %logistic3A_133 = arith.negf %add3A_132 : vector<512x1024xf32>
    %logistic3A_134 = math.exp %logistic3A_133 : vector<512x1024xf32>
    %logistic3A_135 = arith.constant 1.000000e+00 : f32
    %logistic3A_136 = vector.broadcast %logistic3A_135 : f32 to vector<512x1024xf32>
    %logistic3A_137 = arith.addf %logistic3A_136, %logistic3A_134 : vector<512x1024xf32>
    %logistic3A_138 = arith.divf %logistic3A_136, %logistic3A_137 : vector<512x1024xf32>
    %mul3A_139 = arith.mulf %add3A_132, %logistic3A_138 : vector<512x1024xf32>
    %swap3A = arith.constant 0 : index
    %swap3A_140 = arith.constant 0 : index
    %swap3A_141 = arith.constant 0 : index
    %swap3A_142 = arith.constant 0 : index
    %swap3A_143 = vector.load %arg12[%swap3A, %swap3A_140, %swap3A_141, %swap3A_142] : memref<1x512x2x1024xf32, #tpu.memory_space<vmem>>, vector<1x512x1x1024xf32>
    %swap3A_144 = vector.shape_cast %swap3A_143 : vector<1x512x1x1024xf32> to vector<512x1024xf32>
    %swap3A_145 = vector.shape_cast %mul3A_139 : vector<512x1024xf32> to vector<1x512x1x1024xf32>
    tpu.vector_store %arg12[%swap3A, %swap3A_140, %swap3A_141, %swap3A_142], %swap3A_145 {strides = array<i32>} : memref<1x512x2x1024xf32, #tpu.memory_space<vmem>>, vector<1x512x1x1024xf32>,
    %slice3A_146 = vector.extract_strided_slice %mul3A_102 {offsets = [503, 0], sizes = [9, 1024], strides = [1, 1]} : vector<512x1024xf32> to vector<9x1024xf32>
    %swap3A_147 = arith.constant 0 : index
    %swap3A_148 = arith.constant 0 : index
    %swap3A_149 = arith.constant 0 : index
    %swap3A_150 = vector.load %arg13[%swap3A_147, %swap3A_148, %swap3A_149] : memref<2x9x1024xf32, #tpu.memory_space<vmem>>, vector<1x9x1024xf32>
    %swap3A_151 = vector.shape_cast %swap3A_150 : vector<1x9x1024xf32> to vector<9x1024xf32>
    %swap3A_152 = vector.shape_cast %slice3A_146 : vector<9x1024xf32> to vector<1x9x1024xf32>
    tpu.vector_store %arg13[%swap3A_147, %swap3A_148, %swap3A_149], %swap3A_152 {strides = array<i32>} : memref<2x9x1024xf32, #tpu.memory_space<vmem>>, vector<1x9x1024xf32>,
    %get3A_153 = arith.constant 0 : index
    %get3A_154 = arith.constant 0 : index
    %get3A_155 = arith.constant 1 : index
    %get3A_156 = arith.constant 0 : index
    %get3A_157 = vector.load %arg3[%get3A_153, %get3A_154, %get3A_155, %get3A_156] : memref<1x512x2x1024xf32, #tpu.memory_space<vmem>>, vector<1x512x1x1024xf32>
    %get3A_158 = vector.shape_cast %get3A_157 : vector<1x512x1x1024xf32> to vector<512x1024xf32>
    %get3A_159 = arith.constant 0 : index
    %get3A_160 = arith.constant 1 : index
    %get3A_161 = arith.constant 0 : index
    %get3A_162 = vector.load %arg4[%get3A_159, %get3A_160, %get3A_161] : memref<256x2x1024xf32, #tpu.memory_space<vmem>>, vector<256x1x1024xf32>
    %get3A_163 = vector.shape_cast %get3A_162 : vector<256x1x1024xf32> to vector<256x1024xf32>
    %dot_general3A_164 = arith.constant dense<0.000000e+00> : vector<512x1024xf32>
    %dot_general3A_165 = tpu.matmul %get3A_5, %get3A_163, %dot_general3A_164 {dimension_numbers = #tpu.dot_dimension_numbers<[1], [0], [0], [1], [0, 0, 1, 1], [], []>, transpose_lhs_hint = false} : vector<512x256xf32>, vector<256x1024xf32>, vector<512x1024xf32> -> vector<512x1024xf32>
    %get3A_166 = arith.constant 1 : index
    %get3A_167 = arith.constant 0 : index
    %get3A_168 = vector.load %arg6[%get3A_166, %get3A_167] : memref<2x1024xf32, #tpu.memory_space<vmem>>, vector<1x1024xf32>
    %get3A_169 = vector.shape_cast %get3A_168 : vector<1x1024xf32> to vector<1024xf32>
    %broadcast_in_dim3A_170 = vector.shape_cast %get3A_169 : vector<1024xf32> to vector<1x1024xf32>
    %add3A_171 = vector.broadcast %broadcast_in_dim3A_170 : vector<1x1024xf32> to vector<512x1024xf32>
    %add3A_172 = arith.addf %dot_general3A_165, %add3A_171 : vector<512x1024xf32>
    %mul3A_173 = arith.mulf %get3A_158, %get3A_158 : vector<512x1024xf32>
    %dot_general3A_174 = arith.constant dense<0.000000e+00> : vector<512x128xf32>
    %dot_general3A_175 = tpu.matmul %mul3A_173, %get3A_8, %dot_general3A_174 {dimension_numbers = #tpu.dot_dimension_numbers<[1], [0], [0], [1], [0, 0, 1, 1], [], []>, transpose_lhs_hint = false} : vector<512x1024xf32>, vector<1024x128xf32>, vector<512x128xf32> -> vector<512x128xf32>
    %slice3A_176 = vector.extract_strided_slice %dot_general3A_175 {offsets = [0, 0], sizes = [512, 1], strides = [1, 1]} : vector<512x128xf32> to vector<512x1xf32>
    %mul3A_177 = arith.mulf %add3A_172, %add3A_172 : vector<512x1024xf32>
    %dot_general3A_178 = arith.constant dense<0.000000e+00> : vector<512x128xf32>
    %dot_general3A_179 = tpu.matmul %mul3A_177, %get3A_8, %dot_general3A_178 {dimension_numbers = #tpu.dot_dimension_numbers<[1], [0], [0], [1], [0, 0, 1, 1], [], []>, transpose_lhs_hint = false} : vector<512x1024xf32>, vector<1024x128xf32>, vector<512x128xf32> -> vector<512x128xf32>
    %slice3A_180 = vector.extract_strided_slice %dot_general3A_179 {offsets = [0, 0], sizes = [512, 1], strides = [1, 1]} : vector<512x128xf32> to vector<512x1xf32>
    %get3A_181 = arith.constant 1 : index
    %get3A_182 = arith.constant 0 : index
    %get3A_183 = vector.load %arg8[%get3A_181, %get3A_182] : memref<2x1024xf32, #tpu.memory_space<vmem>>, vector<1x1024xf32>
    %get3A_184 = vector.shape_cast %get3A_183 : vector<1x1024xf32> to vector<1024xf32>
    %broadcast_in_dim3A_185 = vector.shape_cast %get3A_184 : vector<1024xf32> to vector<1x1024xf32>
    %mul3A_186 = vector.broadcast %broadcast_in_dim3A_185 : vector<1x1024xf32> to vector<512x1024xf32>
    %mul3A_187 = arith.mulf %get3A_158, %mul3A_186 : vector<512x1024xf32>
    %mul3A_188 = arith.mulf %mul3A_187, %add3A_172 : vector<512x1024xf32>
    %dot_general3A_189 = arith.constant dense<0.000000e+00> : vector<512x128xf32>
    %dot_general3A_190 = tpu.matmul %mul3A_188, %get3A_8, %dot_general3A_189 {dimension_numbers = #tpu.dot_dimension_numbers<[1], [0], [0], [1], [0, 0, 1, 1], [], []>, transpose_lhs_hint = false} : vector<512x1024xf32>, vector<1024x128xf32>, vector<512x128xf32> -> vector<512x128xf32>
    %slice3A_191 = vector.extract_strided_slice %dot_general3A_190 {offsets = [0, 0], sizes = [512, 1], strides = [1, 1]} : vector<512x128xf32> to vector<512x1xf32>
    %mul3A_192 = arith.constant 9.765625E-4 : f32
    %mul3A_193 = vector.broadcast %mul3A_192 : f32 to vector<512x1xf32>
    %mul3A_194 = arith.mulf %slice3A_176, %mul3A_193 : vector<512x1xf32>
    %add3A_195 = arith.constant 9.99999997E-7 : f32
    %add3A_196 = vector.broadcast %add3A_195 : f32 to vector<512x1xf32>
    %add3A_197 = arith.addf %mul3A_194, %add3A_196 : vector<512x1xf32>
    %rsqrt3A_198 = math.rsqrt %add3A_197 : vector<512x1xf32>
    %mul3A_199 = arith.constant 9.765625E-4 : f32
    %mul3A_200 = vector.broadcast %mul3A_199 : f32 to vector<512x1xf32>
    %mul3A_201 = arith.mulf %slice3A_180, %mul3A_200 : vector<512x1xf32>
    %add3A_202 = arith.constant 9.99999997E-7 : f32
    %add3A_203 = vector.broadcast %add3A_202 : f32 to vector<512x1xf32>
    %add3A_204 = arith.addf %mul3A_201, %add3A_203 : vector<512x1xf32>
    %rsqrt3A_205 = math.rsqrt %add3A_204 : vector<512x1xf32>
    %mul3A_206 = arith.mulf %slice3A_191, %rsqrt3A_198 : vector<512x1xf32>
    %mul3A_207 = arith.mulf %mul3A_206, %rsqrt3A_205 : vector<512x1xf32>
    %mul3A_208 = arith.constant 3.125000e-02 : f32
    %mul3A_209 = vector.broadcast %mul3A_208 : f32 to vector<512x1xf32>
    %mul3A_210 = arith.mulf %mul3A_207, %mul3A_209 : vector<512x1xf32>
    %logistic3A_211 = arith.negf %mul3A_210 : vector<512x1xf32>
    %logistic3A_212 = math.exp %logistic3A_211 : vector<512x1xf32>
    %logistic3A_213 = arith.constant 1.000000e+00 : f32
    %logistic3A_214 = vector.broadcast %logistic3A_213 : f32 to vector<512x1xf32>
    %logistic3A_215 = arith.addf %logistic3A_214, %logistic3A_212 : vector<512x1xf32>
    %logistic3A_216 = arith.divf %logistic3A_214, %logistic3A_215 : vector<512x1xf32>
    %mul3A_217 = arith.mulf %logistic3A_216, %logistic3A_216 : vector<512x1xf32>
    %mul3A_218 = arith.mulf %mul3A_217, %mul3A_21 : vector<512x1xf32>
    %add3A_219 = arith.constant 9.99999997E-7 : f32
    %add3A_220 = vector.broadcast %add3A_219 : f32 to vector<512x1xf32>
    %add3A_221 = arith.addf %mul3A_218, %add3A_220 : vector<512x1xf32>
    %rsqrt3A_222 = math.rsqrt %add3A_221 : vector<512x1xf32>
    %mul3A_223 = arith.mulf %logistic3A_216, %rsqrt3A_222 : vector<512x1xf32>
    %get3A_224 = arith.constant 1 : index
    %get3A_225 = arith.constant 0 : index
    %get3A_226 = vector.load %arg9[%get3A_224, %get3A_225] : memref<2x1024xf32, #tpu.memory_space<vmem>>, vector<1x1024xf32>
    %get3A_227 = vector.shape_cast %get3A_226 : vector<1x1024xf32> to vector<1024xf32>
    %broadcast_in_dim3A_228 = vector.shape_cast %get3A_227 : vector<1024xf32> to vector<1x1024xf32>
    %mul3A_229 = vector.broadcast %broadcast_in_dim3A_228 : vector<1x1024xf32> to vector<512x1024xf32>
    %mul3A_230 = arith.mulf %add3A_16, %mul3A_229 : vector<512x1024xf32>
    %mul3A_231 = vector.broadcast %mul3A_223 : vector<512x1xf32> to vector<512x1024xf32>
    %mul3A_232 = arith.mulf %mul3A_230, %mul3A_231 : vector<512x1024xf32>
    %get3A_233 = arith.constant 1 : index
    %get3A_234 = arith.constant 0 : index
    %get3A_235 = arith.constant 0 : index
    %get3A_236 = vector.load %arg13[%get3A_233, %get3A_234, %get3A_235] : memref<2x9x1024xf32, #tpu.memory_space<vmem>>, vector<1x9x1024xf32>
    %get3A_237 = vector.shape_cast %get3A_236 : vector<1x9x1024xf32> to vector<9x1024xf32>
    %concatenate3A_238 = tpu.concatenate %get3A_237, %mul3A_232 in 0 : vector<9x1024xf32>, vector<512x1024xf32> -> vector<521x1024xf32>
    %slice3A_239 = vector.extract_strided_slice %get3A_25 {offsets = [3, 1, 0], sizes = [1, 1, 1024], strides = [1, 1, 1]} : vector<4x2x1024xf32> to vector<1x1x1024xf32>
    %squeeze3A_240 = vector.shape_cast %slice3A_239 : vector<1x1x1024xf32> to vector<1024xf32>
    %broadcast_in_dim3A_241 = vector.shape_cast %squeeze3A_240 : vector<1024xf32> to vector<1x1024xf32>
    %mul3A_242 = vector.broadcast %broadcast_in_dim3A_241 : vector<1x1024xf32> to vector<512x1024xf32>
    %mul3A_243 = arith.mulf %mul3A_232, %mul3A_242 : vector<512x1024xf32>
    %slice3A_244 = vector.extract_strided_slice %concatenate3A_238 {offsets = [0, 0], sizes = [512, 1024], strides = [1, 1]} : vector<521x1024xf32> to vector<512x1024xf32>
    %slice3A_245 = vector.extract_strided_slice %get3A_25 {offsets = [0, 1, 0], sizes = [1, 1, 1024], strides = [1, 1, 1]} : vector<4x2x1024xf32> to vector<1x1x1024xf32>
    %squeeze3A_246 = vector.shape_cast %slice3A_245 : vector<1x1x1024xf32> to vector<1024xf32>
    %broadcast_in_dim3A_247 = vector.shape_cast %squeeze3A_246 : vector<1024xf32> to vector<1x1024xf32>
    %mul3A_248 = vector.broadcast %broadcast_in_dim3A_247 : vector<1x1024xf32> to vector<512x1024xf32>
    %mul3A_249 = arith.mulf %slice3A_244, %mul3A_248 : vector<512x1024xf32>
    %add3A_250 = arith.addf %mul3A_243, %mul3A_249 : vector<512x1024xf32>
    %slice3A_251 = vector.extract_strided_slice %concatenate3A_238 {offsets = [3, 0], sizes = [512, 1024], strides = [1, 1]} : vector<521x1024xf32> to vector<512x1024xf32>
    %slice3A_252 = vector.extract_strided_slice %get3A_25 {offsets = [1, 1, 0], sizes = [1, 1, 1024], strides = [1, 1, 1]} : vector<4x2x1024xf32> to vector<1x1x1024xf32>
    %squeeze3A_253 = vector.shape_cast %slice3A_252 : vector<1x1x1024xf32> to vector<1024xf32>
    %broadcast_in_dim3A_254 = vector.shape_cast %squeeze3A_253 : vector<1024xf32> to vector<1x1024xf32>
    %mul3A_255 = vector.broadcast %broadcast_in_dim3A_254 : vector<1x1024xf32> to vector<512x1024xf32>
    %mul3A_256 = arith.mulf %slice3A_251, %mul3A_255 : vector<512x1024xf32>
    %add3A_257 = arith.addf %add3A_250, %mul3A_256 : vector<512x1024xf32>
    %slice3A_258 = vector.extract_strided_slice %concatenate3A_238 {offsets = [6, 0], sizes = [512, 1024], strides = [1, 1]} : vector<521x1024xf32> to vector<512x1024xf32>
    %slice3A_259 = vector.extract_strided_slice %get3A_25 {offsets = [2, 1, 0], sizes = [1, 1, 1024], strides = [1, 1, 1]} : vector<4x2x1024xf32> to vector<1x1x1024xf32>
    %squeeze3A_260 = vector.shape_cast %slice3A_259 : vector<1x1x1024xf32> to vector<1024xf32>
    %broadcast_in_dim3A_261 = vector.shape_cast %squeeze3A_260 : vector<1024xf32> to vector<1x1024xf32>
    %mul3A_262 = vector.broadcast %broadcast_in_dim3A_261 : vector<1x1024xf32> to vector<512x1024xf32>
    %mul3A_263 = arith.mulf %slice3A_258, %mul3A_262 : vector<512x1024xf32>
    %add3A_264 = arith.addf %add3A_257, %mul3A_263 : vector<512x1024xf32>
    %logistic3A_265 = arith.negf %add3A_264 : vector<512x1024xf32>
    %logistic3A_266 = math.exp %logistic3A_265 : vector<512x1024xf32>
    %logistic3A_267 = arith.constant 1.000000e+00 : f32
    %logistic3A_268 = vector.broadcast %logistic3A_267 : f32 to vector<512x1024xf32>
    %logistic3A_269 = arith.addf %logistic3A_268, %logistic3A_266 : vector<512x1024xf32>
    %logistic3A_270 = arith.divf %logistic3A_268, %logistic3A_269 : vector<512x1024xf32>
    %mul3A_271 = arith.mulf %add3A_264, %logistic3A_270 : vector<512x1024xf32>
    %swap3A_272 = arith.constant 0 : index
    %swap3A_273 = arith.constant 0 : index
    %swap3A_274 = arith.constant 1 : index
    %swap3A_275 = arith.constant 0 : index
    %swap3A_276 = vector.load %arg12[%swap3A_272, %swap3A_273, %swap3A_274, %swap3A_275] : memref<1x512x2x1024xf32, #tpu.memory_space<vmem>>, vector<1x512x1x1024xf32>
    %swap3A_277 = vector.shape_cast %swap3A_276 : vector<1x512x1x1024xf32> to vector<512x1024xf32>
    %swap3A_278 = vector.shape_cast %mul3A_271 : vector<512x1024xf32> to vector<1x512x1x1024xf32>
    tpu.vector_store %arg12[%swap3A_272, %swap3A_273, %swap3A_274, %swap3A_275], %swap3A_278 {strides = array<i32>} : memref<1x512x2x1024xf32, #tpu.memory_space<vmem>>, vector<1x512x1x1024xf32>,
    %slice3A_279 = vector.extract_strided_slice %mul3A_232 {offsets = [503, 0], sizes = [9, 1024], strides = [1, 1]} : vector<512x1024xf32> to vector<9x1024xf32>
    %swap3A_280 = arith.constant 1 : index
    %swap3A_281 = arith.constant 0 : index
    %swap3A_282 = arith.constant 0 : index
    %swap3A_283 = vector.load %arg13[%swap3A_280, %swap3A_281, %swap3A_282] : memref<2x9x1024xf32, #tpu.memory_space<vmem>>, vector<1x9x1024xf32>
    %swap3A_284 = vector.shape_cast %swap3A_283 : vector<1x9x1024xf32> to vector<9x1024xf32>
    %swap3A_285 = vector.shape_cast %slice3A_279 : vector<9x1024xf32> to vector<1x9x1024xf32>
    tpu.vector_store %arg13[%swap3A_280, %swap3A_281, %swap3A_282], %swap3A_285 {strides = array<i32>} : memref<2x9x1024xf32, #tpu.memory_space<vmem>>, vector<1x9x1024xf32>,
    return
  }
  func.func @transform_0(%arg0: i32, %arg1: i32) -> (i32, i32, i32) {
    %c0_i32 = arith.constant 0 : i32
    %c0_i32_0 = arith.constant 0 : i32
    return %arg0, %arg1, %c0_i32 : i32, i32, i32
  }
  func.func @transform_1(%arg0: i32, %arg1: i32) -> (i32, i32, i32, i32) {
    %c0_i32 = arith.constant 0 : i32
    %c0_i32_0 = arith.constant 0 : i32
    %c0_i32_1 = arith.constant 0 : i32
    return %arg0, %arg1, %c0_i32, %c0_i32_0 : i32, i32, i32, i32
  }
  func.func @transform_2(%arg0: i32, %arg1: i32) -> (i32, i32, i32) {
    %c0_i32 = arith.constant 0 : i32
    %c0_i32_0 = arith.constant 0 : i32
    %c0_i32_1 = arith.constant 0 : i32
    %c0_i32_2 = arith.constant 0 : i32
    return %c0_i32, %c0_i32_0, %c0_i32_1 : i32, i32, i32
  }
  func.func @transform_3(%arg0: i32, %arg1: i32) -> (i32, i32) {
    %c0_i32 = arith.constant 0 : i32
    %c0_i32_0 = arith.constant 0 : i32
    %c0_i32_1 = arith.constant 0 : i32
    return %c0_i32, %c0_i32_0 : i32, i32
  }
  func.func @transform_4(%arg0: i32, %arg1: i32) -> (i32, i32) {
    %c0_i32 = arith.constant 0 : i32
    %c0_i32_0 = arith.constant 0 : i32
    %c0_i32_1 = arith.constant 0 : i32
    return %c0_i32, %c0_i32_0 : i32, i32
  }
  func.func @transform_5(%arg0: i32, %arg1: i32) -> (i32, i32) {
    %c0_i32 = arith.constant 0 : i32
    %c0_i32_0 = arith.constant 0 : i32
    %c0_i32_1 = arith.constant 0 : i32
    return %c0_i32, %c0_i32_0 : i32, i32
  }
  func.func @transform_6(%arg0: i32, %arg1: i32) -> (i32, i32) {
    %c0_i32 = arith.constant 0 : i32
    %c0_i32_0 = arith.constant 0 : i32
    %c0_i32_1 = arith.constant 0 : i32
    return %c0_i32, %c0_i32_0 : i32, i32
  }
  func.func @transform_7(%arg0: i32, %arg1: i32) -> (i32, i32) {
    %c0_i32 = arith.constant 0 : i32
    %c0_i32_0 = arith.constant 0 : i32
    %c0_i32_1 = arith.constant 0 : i32
    return %c0_i32, %c0_i32_0 : i32, i32
  }
  func.func @transform_8(%arg0: i32, %arg1: i32) -> (i32, i32, i32) {
    %c0_i32 = arith.constant 0 : i32
    %c0_i32_0 = arith.constant 0 : i32
    %c0_i32_1 = arith.constant 0 : i32
    %c0_i32_2 = arith.constant 0 : i32
    return %c0_i32, %c0_i32_0, %c0_i32_1 : i32, i32, i32
  }
  func.func @transform_9(%arg0: i32, %arg1: i32) -> (i32, i32) {
    %c0_i32 = arith.constant 0 : i32
    %c0_i32_0 = arith.constant 0 : i32
    %c0_i32_1 = arith.constant 0 : i32
    return %c0_i32, %c0_i32_0 : i32, i32
  }
  func.func @transform_10(%arg0: i32, %arg1: i32) -> (i32, i32, i32, i32) {
    %c0_i32 = arith.constant 0 : i32
    %c0_i32_0 = arith.constant 0 : i32
    %c0_i32_1 = arith.constant 0 : i32
    return %arg0, %arg1, %c0_i32, %c0_i32_0 : i32, i32, i32, i32
  }
}

</mosaic_0001>

<sc_bundles>
// kernel: kernel.5.cloned.1.call-start
scs
__scs_entry_jumppad:
0x0: {  	(pc) =	sbr.rel $0x88, $3  }
0x1: {  	(tag) =	ssettag $0x0;
	lr =	simm.s32 $0x1  }
0x2: {  	[smem:$0x3F96] =	sst lr;
	_ =	strace $0xD0000000  }
0x3: {  	_ = 	snop  }
0x4: {  	_ = 	snop  }
0x5: {  	_ = 	snop  }
0x6: {  	_ = 	snop  }
0x7: {  	_ = 	snop  }
__scs_overlays_trampoline_lowered:
0x8: {  	[smem:$0x3FA5] =	sst s0  }
0x9: {  	[smem:$0x3FA6] =	sst s1  }
0xa: {  	[smem:$0x3FA7] =	sst s2  }
0xb: {  	[smem:$0x3FA8] =	sst s3  }
0xc: {  	[smem:$0x3FA9] =	sst s4  }
0xd: {  	[smem:$0x3FAA] =	sst s5  }
0xe: {  	[smem:$0x3FAB] =	sst s6  }
0xf: {  	[smem:$0x3FAC] =	sst s7  }
0x10: {  	[smem:$0x3FAD] =	sst s8  }
0x11: {  	[smem:$0x3FAE] =	sst s9;
	s0 =	simm.s32 @!p0 $0x0  }
0x12: {  	s1 =	sld [smem:$0x3F94];
	s0 =	simm.s32 @p0 $0x1  }
0x13: {  	[smem:$0x3FAF] =	sst s0;
	s0 =	simm.s32 @!p1 $0x0  }
0x14: {  	s2 =	sld [smem:$0x3F93];
	s0 =	simm.s32 @p1 $0x1  }
0x15: {  	[smem:$0x3FB0] =	sst s0;
	s0 =	simm.s32 @!p2 $0x0  }
0x16: {  	s3 =	sld [smem:$0x3FDB];
	s0 =	simm.s32 @p2 $0x1  }
0x17: {  	s4 =	simm.s32 $0x1BF5;
	[smem:$0x3FB2] =	sst s0  }
0x18: {  	s0 =	sld [smem:$0x3F95];
	_ =	swait.ge [sflag:s4], $0x0  }
0x19: {  	s7 =	sld [smem:$0x3F96]  }
0x1a: {  	s8 =	sadd.s32 $0xFFFFE003, lr  }
0x1b: {  	s9 =	sadd.s32 $0xFFFFFEF7, lr;
	s5 =	simm.s32 $0xFFFFFFFF;
	p2 =	slt.u32 s8, $0xFFFFF086  }
0x1c: {  	p1 =	slt.u32 s9, $0xF7A;
	s5 =	simm.s32 @!p2 $0x0  }
0x1d: {  	s5 =	simm.s32 @p1 $0x1;
	p0 =	seq.s32 s7, s2  }
0x1e: {  	s7 =	smul.u32 @!p0 $0xF7A, s2;
	p2 =	seq.s32 @!p0 s5, $0x0  }
0x1f: {  	s9 =	smul.u32 $0xF7A, s1;
	s8 =	simm.s32 @!p0 $0x1BF5;
	p2 =	por !p2, p0  }
0x20: {  	[sflag:s8] =	ssyncset.s32 @!p0 $0xFFFFF086;
	s6 =	sadd.s32 @!p0 s3, s7;
	s7 =	simm.s32 @!p0 $0x108  }
0x21: {  	s3 =	sadd.s32 s3, s9;
	s6 =	sadd.s32 @!p0 $0x88, s6;
	s7 =	simm.s32 @p2 $0x1082  }
0x22: {  	[simem:s7], [sflag:s8] =	dma.local @!p0 [hbm:s6], $0xF7A  }
0x23: {  	s9 =	sor.u32 $0xD0000000, s2;
	s6 =	simm.s32 $0x108;
	_ =	swait.ge @!p0 [sflag:s8], $0x0  }
0x24: {  	s3 =	sadd.s32 $0x88, s3;
	s6 =	simm.s32 @!p1 $0x1082;
	[sflag:s4] =	ssyncset.s32 $0xFFFFF086  }
0x25: {  	[simem:s6], [sflag:s4] =	dma.local [hbm:s3], $0xF7A  }
0x26: {  	[smem:$0x3F96] =	sst s1;
	(tag) =	ssettag s2;
	_ =	strace s9  }
0x27: {  	s1 =	sld [smem:$0x3FA6]  }
0x28: {  	s2 =	sld [smem:$0x3FA7]  }
0x29: {  	s4 =	sld [smem:$0x3FA9]  }
0x2a: {  	p0 =	seq.s32 s5, $0x0;
	s5 =	sld [smem:$0x3FAA]  }
0x2b: {  	s6 =	sld [smem:$0x3FAB]  }
0x2c: {  	s7 =	sld [smem:$0x3FAC]  }
0x2d: {  	s3 =	simm.s32 $0x108;
	s8 =	sld [smem:$0x3FAD]  }
0x2e: {  	s3 =	simm.s32 @!p0 $0x1082;
	s9 =	sld [smem:$0x3FAE]  }
0x2f: {  	lr =	sadd.s32 s0, s3;
	s0 =	sld [smem:$0x3FA5]  }
0x30: {  	s3 =	sld [smem:$0x3FA8]  }
0x31: {  	[smem:$0x3FB1] =	sst s10  }
0x32: {  	s10 =	sld [smem:$0x3FAF];
	_ =	sdelay $0x3  }
0x33: {  	p0 =	seq.s32 s10, $0x1;
	s10 =	sld [smem:$0x3FB1];
	_ =	sdelay $0x3  }
0x34: {  	[smem:$0x3FB1] =	sst s10  }
0x35: {  	s10 =	sld [smem:$0x3FB0];
	_ =	sdelay $0x3  }
0x36: {  	p1 =	seq.s32 s10, $0x1;
	s10 =	sld [smem:$0x3FB1];
	_ =	sdelay $0x3  }
0x37: {  	[smem:$0x3FB1] =	sst s10  }
0x38: {  	s10 =	sld [smem:$0x3FB2]  }
0x39: {  	_ = 	snop;
	(pc) =	sbr.ind lr, $3  }
0x3a: {  	_ = 	snop  }
0x3b: {  	_ = 	snop  }
0x3c: {  	p2 =	seq.s32 s10, $0x1;
	s10 =	sld [smem:$0x3FB1]  }
0x3d: {  	_ =	shalt  }
0x3e: {  	_ =	shalt  }
0x3f: {  	_ =	shalt  }
0x40: {  	_ =	shalt  }
0x41: {  	_ =	shalt  }
0x42: {  	_ =	shalt  }
0x43: {  	_ =	shalt  }
0x44: {  	_ =	shalt  }
0x45: {  	_ =	shalt  }
0x46: {  	_ =	shalt  }
0x47: {  	_ =	shalt  }
0x48: {  	_ =	shalt  }
0x49: {  	_ =	shalt  }
0x4a: {  	_ =	shalt  }
0x4b: {  	_ =	shalt  }
0x4c: {  	_ =	shalt  }
0x4d: {  	_ =	shalt  }
0x4e: {  	_ =	shalt  }
0x4f: {  	_ =	shalt  }
0x50: {  	_ =	shalt  }
0x51: {  	_ =	shalt  }
0x52: {  	_ =	shalt  }
0x53: {  	_ =	shalt  }
0x54: {  	_ =	shalt  }
0x55: {  	_ =	shalt  }
0x56: {  	_ =	shalt  }
0x57: {  	_ =	shalt  }
0x58: {  	_ =	shalt  }
0x59: {  	_ =	shalt  }
0x5a: {  	_ =	shalt  }
0x5b: {  	_ =	shalt  }
0x5c: {  	_ =	shalt  }
0x5d: {  	_ =	shalt  }
0x5e: {  	_ =	shalt  }
0x5f: {  	_ =	shalt  }
0x60: {  	_ =	shalt  }
0x61: {  	_ =	shalt  }
0x62: {  	_ =	shalt  }
0x63: {  	_ =	shalt  }
0x64: {  	_ =	shalt  }
0x65: {  	_ =	shalt  }
0x66: {  	_ =	shalt  }
0x67: {  	_ =	shalt  }
0x68: {  	_ =	shalt  }
0x69: {  	_ =	shalt  }
0x6a: {  	_ =	shalt  }
0x6b: {  	_ =	shalt  }
0x6c: {  	_ =	shalt  }
0x6d: {  	_ =	shalt  }
0x6e: {  	_ =	shalt  }
0x6f: {  	_ =	shalt  }
0x70: {  	_ =	shalt  }
0x71: {  	_ =	shalt  }
0x72: {  	_ =	shalt  }
0x73: {  	_ =	shalt  }
0x74: {  	_ =	shalt  }
0x75: {  	_ =	shalt  }
0x76: {  	_ =	shalt  }
0x77: {  	_ =	shalt  }
0x78: {  	_ =	shalt  }
0x79: {  	_ =	shalt  }
0x7a: {  	_ =	shalt  }
0x7b: {  	_ =	shalt  }
0x7c: {  	_ =	shalt  }
0x7d: {  	_ =	shalt  }
0x7e: {  	_ =	shalt  }
0x7f: {  	_ =	shalt  }
0x80: {  	_ =	shalt  }
0x81: {  	_ =	shalt  }
0x82: {  	_ =	shalt  }
0x83: {  	_ =	shalt  }
0x84: {  	_ =	shalt  }
0x85: {  	_ =	shalt  }
0x86: {  	_ =	shalt  }
0x87: {  	_ =	shalt  }
.Lfunc_end0:
.L_simem_size_0:
called_computation_lowered:
.L_overlay_start_0:
0x88: {  	s2 =	sld [smem:$0x3FD9]  }
0x89: {  	s3 =	sld [smem:$0x3FFE];
	_ =	sdelay $0x1  }
0x8a: {  	s1 =	srdreg.scid  }
0x8b: {  	s0 =	sand.u32 $0x1, s1  }
0x8c: {  	s17 =	sshll.u32 s0, $0xA;
	s2 =	sadd.s32 s3, s2  }
0x8d: {  	s2 =	sadd.s32 s2, s17  }
0x8e: {  	[smem:$0x3FBD] =	sst s2  }
0x8f: {  	_ = 	snop  }
0x90: {  	s2 =	sld [smem:$0x3FD0];
	(tm) =	ssettm $0x1  }
0x91: {  	s18 =	sld [smem:$0x3FFB];
	_ =	sdelay $0x3  }
0x92: {  	_ =	strace s18  }
0x93: {  	s3 =	sld [smem:$0x3FFC];
	_ =	sdelay $0x3  }
0x94: {  	_ =	strace s3  }
0x95: {  	s3 =	sld [smem:$0x3FFD];
	_ =	sdelay $0x3  }
0x96: {  	_ =	strace s3  }
0x97: {  	_ =	strace $0x8FFFFFFF  }
0x98: {  	s19 =	sld [smem:$0x3FDB];
	_ =	sdelay $0x1  }
0x99: {  	s4 =	simm.s32 $_scs_section_size  }
0x9a: {  	s5 =	simm.s32 $_size__tile_overlayer_lowered;
	s6 =	simm.s32 $_tile_overlayer_lowered  }
0x9b: {  	s22 =	simm.s32 $0x1BFF;
	s21 =	sshll.u32 s6, $0x1;
	s3 =	sadd.s32 s4, s19  }
0x9c: {  	s7 =	simm.s32 $0x0;
	s20 =	sshll.u32 s5, $0x1;
	s5 =	sadd.s32 s21, s3  }
0x9d: {  	[timem:s7], [sflag:s22] =	dma.local [hbm:s5], s20  }
0x9e: {  	_ =	swait.ge [sflag:s22], s20  }
0x9f: {  	s4 =	ssub.s32 $0x0, s20;
	[sflag:s22] =	ssyncset.done $0x0  }
0xa0: {  	[sflag:s22] =	ssyncadd.s32 s4;
	_ =	sdelay $0x1  }
0xa1: {  	s23 =	simm.s32 $0x1B8B  }
0xa2: {  	_ =	swait.ge [sflag:s23], $0x1  }
0xa3: {  	[sflag:s23] =	ssyncset.done $0x0  }
0xa4: {  	s25 =	simm.s32 $0x1B8E;
	s24 =	sld [smem:$0x3FFE];
	[sflag:s23] =	ssyncadd.s32 $0xFFFFFFFF  }
0xa5: {  	s26 =	simm.s32 $execute0_lowered;
	[smem:$0x3FD2] =	sst s25  }
0xa6: {  	s5 =	sshll.u32 s26, $0x1;
	_ =	strace $0x80000046;
	[dreg:$0x1] =	wrdreg $0xFFFFFFFF  }
0xa7: {  	s28 =	simm.s32 $_size_execute0_lowered;
	s3 =	sadd.s32 s3, s5;
	[dreg:$0x0] =	wrdreg $0x0  }
0xa8: {  	s5 =	sshll.u32 s28, $0x1;
	[dreg:$0x2] =	wrdreg s3  }
0xa9: {  	[dreg:$0x3] =	wrdreg s5  }
0xaa: {  	[dreg:$0x4] =	wrdreg $0xC0  }
0xab: {  	_ =	task [dreg:s7], $0x5FFFF  }
0xac: {  	[dreg:$0x1] =	wrdreg $0xFFFFFFFF  }
0xad: {  	[dreg:$0x0] =	wrdreg $0x60  }
0xae: {  	[dreg:$0x2] =	wrdreg s24  }
0xaf: {  	[dreg:$0x3] =	wrdreg s2  }
0xb0: {  	[dreg:$0x4] =	wrdreg $0x9  }
0xb1: {  	_ =	task.clear_ibuf [dreg:s7], $0x5FFFF;
	_ =	strace $0x90000046  }
0xb2: {  	s29 =	simm.s32 $0x9;
	_ =	strace $0x80000048  }
0xb3: {  	_ =	swait.ge [sflag:s29], $0x1  }
0xb4: {  	[sflag:s29] =	ssyncadd.s32 $0xFFFFFFFF  }
0xb5: {  	_ =	strace $0x90000048  }
0xb6: {  	_ =	sfence  }
0xb7: {  	s30 =	sld [smem:$0x0];
	_ =	sdelay $0x2  }
0xb8: {  	s31 =	sshll.u32 s1, $0xD;
	s1 =	sshrl.u32 s1, $0x2  }
0xb9: {  	s3 =	sand.u32 $0x4000, s31;
	s1 =	sadd.s32 s1, s30  }
0xba: {  	s0 =	sor.u32 s3, s0;
	s1 =	sshll.u32 s1, $0x11  }
0xbb: {  	s0 =	sor.u32 s1, s0  }
0xbc: {  	s0 =	sadd.s32 $0x8F2B, s0  }
0xbd: {  	[sflag:s0] =	ssyncadd.remote.s32 $0x1  }
0xbe: {  	_ =	sfence.sel $0xFFFF  }
0xbf: {  	[dreg:$0x0] =	wrdreg $0xFFFFFFFF;
	(pc) =	sbr.abs _section_cstart, $3  }
0xc0: {  	[dreg:$0x1] =	wrdreg $0xFFFFFFFF  }
0xc1: {  	_ =	task.clear_ibuf [dreg:s7], $0x2FFFF;
	_ =	strace $0x9FFFFFFF  }
0xc2: {  	(tm) =	ssettm $0x7FFFFFFF  }
0xc3: {  	_ =	shalt  }
tec
execute0_lowered:
.L_overlay_start_1:
0x0: {  	(tag) =	ssettag $0x1  }
0x1: {  	s0 =	srdreg.scid  }
0x2: {  	s2 =	stileid.u32;
	s1 =	sand.u32 $0x1, s0  }
0x3: {  	s4 =	rddreg [dreg:$0x1];
	s2 =	sshll.u32 s2, $0xD;
	s3 =	sshll.u32 s1, $0xC  }
0x4: {  	s0 =	rddreg [dreg:$0x0];
	s3 =	sor.u32 s3, s2;
	s2 =	simm.s32 $0x0  }
0x5: {  	s9 =	simm.s32 $0x1800;
	[smem:$0x7FF] =	sst s2  }
0x6: {  	s10 =	simm.s32 $0x100;
	_ =	strace $0x80000047;
	[dreg:$0x5] =	wrdreg s9  }
0x7: {  	s11 =	simm.s32 $0x2000;
	[dreg:$0x6] =	wrdreg s10  }
0x8: {  	s12 =	simm.s32 $0x180;
	[dreg:$0x7] =	wrdreg s11  }
0x9: {  	s13 =	simm.s32 $0x2800;
	[dreg:$0x8] =	wrdreg s12  }
0xa: {  	s14 =	simm.s32 $0x200;
	[dreg:$0x9] =	wrdreg s13  }
0xb: {  	s15 =	simm.s32 $0x3000;
	[dreg:$0xa] =	wrdreg s14  }
0xc: {  	s16 =	simm.s32 $0x280;
	[dreg:$0xb] =	wrdreg s15  }
0xd: {  	s17 =	simm.s32 $0x3800;
	[dreg:$0xc] =	wrdreg s16  }
0xe: {  	s18 =	simm.s32 $0x300;
	[dreg:$0xd] =	wrdreg s17  }
0xf: {  	s19 =	simm.s32 $0x4000;
	[dreg:$0xe] =	wrdreg s18  }
0x10: {  	s20 =	simm.s32 $0x380;
	[dreg:$0xf] =	wrdreg s19  }
0x11: {  	s21 =	simm.s32 $0x4800;
	[dreg:$0x10] =	wrdreg s20  }
0x12: {  	s22 =	simm.s32 $0x400;
	[dreg:$0x11] =	wrdreg s21  }
0x13: {  	s23 =	simm.s32 $0x5000;
	[dreg:$0x12] =	wrdreg s22  }
0x14: {  	s24 =	simm.s32 $0x480;
	[dreg:$0x13] =	wrdreg s23  }
0x15: {  	s25 =	simm.s32 $0x5800;
	[dreg:$0x14] =	wrdreg s24  }
0x16: {  	s26 =	simm.s32 $0x500;
	[dreg:$0x15] =	wrdreg s25  }
0x17: {  	s6 =	simm.s32 $0x6800;
	[dreg:$0x16] =	wrdreg s26  }
0x18: {  	s7 =	simm.s32 $0x600;
	s8 =	simm.s32 $0x7000;
	[dreg:$0x19] =	wrdreg s6  }
0x19: {  	s5 =	sshrl.u32 s3, $0x3;
	s3 =	sshll.u32 s3, $0x1;
	[dreg:$0x1a] =	wrdreg s7  }
0x1a: {  	s3 =	sadd.s32 s4, s3;
	[dreg:$0x1b] =	wrdreg s8  }
0x1b: {  	s4 =	simm.s32 $0x6000;
	[dreg:$0x4] =	wrdreg s3  }
0x1c: {  	s9 =	simm.s32 $0x680;
	[dreg:$0x17] =	wrdreg s4  }
0x1d: {  	s10 =	simm.s32 $0x7800;
	[dreg:$0x1c] =	wrdreg s9  }
0x1e: {  	s11 =	simm.s32 $0x700;
	[dreg:$0x1d] =	wrdreg s10  }
0x1f: {  	s12 =	simm.s32 $0x8000;
	[dreg:$0x1e] =	wrdreg s11  }
0x20: {  	s13 =	simm.s32 $0x780;
	[dreg:$0x1f] =	wrdreg s12  }
0x21: {  	s14 =	simm.s32 $0x8800;
	[smem:$0x7F8] =	sst s13  }
0x22: {  	s15 =	simm.s32 $0x800;
	[smem:$0x7F7] =	sst s14  }
0x23: {  	s16 =	simm.s32 $0x9000;
	[smem:$0x7F9] =	sst s15  }
0x24: {  	s17 =	simm.s32 $0x880;
	[smem:$0x7F6] =	sst s16  }
0x25: {  	s18 =	simm.s32 $0x9800;
	[smem:$0x7FA] =	sst s17  }
0x26: {  	s19 =	simm.s32 $0x900;
	[smem:$0x7F5] =	sst s18  }
0x27: {  	s20 =	simm.s32 $0xA000;
	[smem:$0x7FB] =	sst s19  }
0x28: {  	s21 =	simm.s32 $0x980;
	[smem:$0x7F4] =	sst s20  }
0x29: {  	s22 =	simm.s32 $0xA800;
	[smem:$0x7FC] =	sst s21  }
0x2a: {  	s5 =	sadd.s32 s5, s0;
	s24 =	simm.s32 $0xA00;
	[smem:$0x7F3] =	sst s22  }
0x2b: {  	s5 =	sadd.s32 $0x1A00, s5;
	[smem:$0x7FD] =	sst s24  }
0x2c: {  	[dreg:$0x3] =	wrdreg s5;
	s5 =	simm.s32 $0x580  }
0x2d: {  	[dreg:$0x18] =	wrdreg s5  }
0x2e: {  	s3 =	simm.s32 $0x2;
	s23 =	rddreg [dreg:$0x3]  }
0x2f: {  	[tilespmem:s2], [sflag:$0x2] =	stream.linear.gather [hbm4b:s23+s2], $0x1000, $0x38;
	[tilespmem:$0x11000] =	vst v63  }
0x30: {  	_ =	swait.ge [sflag:s3], $0x1000  }
0x31: {  	s7 =	sld [smem:$0x7F3]  }
0x32: {  	s8 =	sld [smem:$0x7F4]  }
0x33: {  	s9 =	sld [smem:$0x7F5]  }
0x34: {  	s10 =	sld [smem:$0x7F6]  }
0x35: {  	s11 =	sld [smem:$0x7F7]  }
0x36: {  	s12 =	rddreg [dreg:$0x1f]  }
0x37: {  	s13 =	rddreg [dreg:$0x1d]  }
0x38: {  	s14 =	rddreg [dreg:$0x1b]  }
0x39: {  	s15 =	rddreg [dreg:$0x19]  }
0x3a: {  	s16 =	rddreg [dreg:$0x17]  }
0x3b: {  	s17 =	rddreg [dreg:$0x15]  }
0x3c: {  	s18 =	rddreg [dreg:$0x13]  }
0x3d: {  	s19 =	rddreg [dreg:$0x11]  }
0x3e: {  	s20 =	rddreg [dreg:$0xf]  }
0x3f: {  	s25 =	rddreg [dreg:$0x6]  }
0x40: {  	s21 =	rddreg [dreg:$0x5]  }
0x41: {  	s6 =	simm.s32 $0x80;
	s22 =	rddreg [dreg:$0x7]  }
0x42: {  	s4 =	sadd.s32 $0x1873800, s0;
	[sflag:s3] =	ssyncset.done $0x0;
	s23 =	rddreg [dreg:$0x9]  }
0x43: {  	s5 =	simm.s32 $0x1000;
	s26 =	rddreg [dreg:$0x8];
	[sflag:s3] =	ssyncadd.s32 $0xFFFFF000  }
0x44: {  	[tilespmem:s5], [sflag:$0x1] =	stream.indirect.gather [hbm4b:s4+s6], $0x10, s2, s6, $0xb8;
	[tilespmem:$0x11000] =	vst v63  }
0x45: {  	s24 =	rddreg [dreg:$0xa]  }
0x46: {  	[tilespmem:s21], [sflag:$0x1] =	stream.indirect.gather [hbm4b:s4+s6], $0x10, s6, s6, $0xb8;
	[tilespmem:$0x11000] =	vst v63  }
0x47: {  	s21 =	rddreg [dreg:$0x1e]  }
0x48: {  	[tilespmem:s22], [sflag:$0x1] =	stream.indirect.gather [hbm4b:s4+s6], $0x10, s25, s6, $0xb8;
	[tilespmem:$0x11000] =	vst v63  }
0x49: {  	s22 =	rddreg [dreg:$0xb]  }
0x4a: {  	[tilespmem:s23], [sflag:$0x1] =	stream.indirect.gather [hbm4b:s4+s6], $0x10, s26, s6, $0xb8;
	[tilespmem:$0x11000] =	vst v63  }
0x4b: {  	s25 =	rddreg [dreg:$0xd]  }
0x4c: {  	[tilespmem:s22], [sflag:$0x1] =	stream.indirect.gather [hbm4b:s4+s6], $0x10, s24, s6, $0xb8;
	[tilespmem:$0x11000] =	vst v63  }
0x4d: {  	s26 =	rddreg [dreg:$0xc]  }
0x4e: {  	[tilespmem:s25], [sflag:$0x1] =	stream.indirect.gather [hbm4b:s4+s6], $0x10, s26, s6, $0xb8;
	[tilespmem:$0x11000] =	vst v63  }
0x4f: {  	s22 =	rddreg [dreg:$0xe]  }
0x50: {  	[tilespmem:s20], [sflag:$0x1] =	stream.indirect.gather [hbm4b:s4+s6], $0x10, s22, s6, $0xb8;
	[tilespmem:$0x11000] =	vst v63  }
0x51: {  	s23 =	rddreg [dreg:$0x10]  }
0x52: {  	[tilespmem:s19], [sflag:$0x1] =	stream.indirect.gather [hbm4b:s4+s6], $0x10, s23, s6, $0xb8;
	[tilespmem:$0x11000] =	vst v63  }
0x53: {  	s24 =	rddreg [dreg:$0x12]  }
0x54: {  	[tilespmem:s18], [sflag:$0x1] =	stream.indirect.gather [hbm4b:s4+s6], $0x10, s24, s6, $0xb8;
	[tilespmem:$0x11000] =	vst v63  }
0x55: {  	s25 =	rddreg [dreg:$0x14]  }
0x56: {  	[tilespmem:s17], [sflag:$0x1] =	stream.indirect.gather [hbm4b:s4+s6], $0x10, s25, s6, $0xb8;
	[tilespmem:$0x11000] =	vst v63  }
0x57: {  	s26 =	rddreg [dreg:$0x16]  }
0x58: {  	[tilespmem:s16], [sflag:$0x1] =	stream.indirect.gather [hbm4b:s4+s6], $0x10, s26, s6, $0xb8;
	[tilespmem:$0x11000] =	vst v63  }
0x59: {  	s18 =	rddreg [dreg:$0x18]  }
0x5a: {  	[tilespmem:s15], [sflag:$0x1] =	stream.indirect.gather [hbm4b:s4+s6], $0x10, s18, s6, $0xb8;
	[tilespmem:$0x11000] =	vst v63  }
0x5b: {  	s19 =	rddreg [dreg:$0x1a]  }
0x5c: {  	[tilespmem:s14], [sflag:$0x1] =	stream.indirect.gather [hbm4b:s4+s6], $0x10, s19, s6, $0xb8;
	[tilespmem:$0x11000] =	vst v63  }
0x5d: {  	s20 =	rddreg [dreg:$0x1c]  }
0x5e: {  	[tilespmem:s13], [sflag:$0x1] =	stream.indirect.gather [hbm4b:s4+s6], $0x10, s20, s6, $0xb8;
	[tilespmem:$0x11000] =	vst v63  }
0x5f: {  	s22 =	sld [smem:$0x7F8]  }
0x60: {  	[tilespmem:s12], [sflag:$0x1] =	stream.indirect.gather [hbm4b:s4+s6], $0x10, s21, s6, $0xb8;
	[tilespmem:$0x11000] =	vst v63  }
0x61: {  	s24 =	sld [smem:$0x7F9]  }
0x62: {  	[tilespmem:s11], [sflag:$0x1] =	stream.indirect.gather [hbm4b:s4+s6], $0x10, s22, s6, $0xb8;
	[tilespmem:$0x11000] =	vst v63  }
0x63: {  	s26 =	sld [smem:$0x7FA]  }
0x64: {  	[tilespmem:s10], [sflag:$0x1] =	stream.indirect.gather [hbm4b:s4+s6], $0x10, s24, s6, $0xb8;
	[tilespmem:$0x11000] =	vst v63  }
0x65: {  	s13 =	sld [smem:$0x7FB]  }
0x66: {  	[tilespmem:s9], [sflag:$0x1] =	stream.indirect.gather [hbm4b:s4+s6], $0x10, s26, s6, $0xb8;
	[tilespmem:$0x11000] =	vst v63  }
0x67: {  	s14 =	sld [smem:$0x7FC]  }
0x68: {  	[tilespmem:s8], [sflag:$0x1] =	stream.indirect.gather [hbm4b:s4+s6], $0x10, s13, s6, $0xb8;
	[tilespmem:$0x11000] =	vst v63  }
0x69: {  	s28 =	simm.s32 $0xC80;
	s23 =	ssub.s32 $0x2, s1;
	s17 =	sld [smem:$0x7FD]  }
0x6a: {  	[tilespmem:s7], [sflag:$0x1] =	stream.indirect.gather [hbm4b:s4+s6], $0x10, s14, s6, $0xb8;
	[tilespmem:$0x11000] =	vst v63  }
0x6b: {  	s29 =	simm.s32 $0xD800;
	s25 =	sshrl.u32 s23, $0x1;
	s15 =	simm.s32 $0xB000  }
0x6c: {  	[tilespmem:s15], [sflag:$0x1] =	stream.indirect.gather [hbm4b:s4+s6], $0x10, s17, s6, $0xb8;
	[tilespmem:$0x11000] =	vst v63  }
0x6d: {  	s0 =	ssub.s32 s23, s25;
	s16 =	simm.s32 $0xA80;
	s18 =	simm.s32 $0xB800  }
0x6e: {  	[tilespmem:s18], [sflag:$0x1] =	stream.indirect.gather [hbm4b:s4+s6], $0x10, s16, s6, $0xb8;
	[tilespmem:$0x11000] =	vst v63  }
0x6f: {  	s0 =	smax.u32 s0, $0x1;
	s19 =	simm.s32 $0xB00;
	s20 =	simm.s32 $0xC000  }
0x70: {  	[tilespmem:s20], [sflag:$0x1] =	stream.indirect.gather [hbm4b:s4+s6], $0x10, s19, s6, $0xb8;
	[tilespmem:$0x11000] =	vst v63  }
0x71: {  	p0 =	sne.s32 s0, $0x1;
	s21 =	simm.s32 $0xB80;
	s22 =	simm.s32 $0xC800  }
0x72: {  	[tilespmem:s22], [sflag:$0x1] =	stream.indirect.gather [hbm4b:s4+s6], $0x10, s21, s6, $0xb8;
	[tilespmem:$0x11000] =	vst v63  }
.Ltmp0:
0x73: {  	s23 =	simm.s32 $0xC00;
	s24 =	simm.s32 $0xD000;
	(pc) =	sbr.rel @!p0 .LBB2_2-.Ltmp0, $4  }
0x74: {  	[tilespmem:s24], [sflag:$0x1] =	stream.indirect.gather [hbm4b:s4+s6], $0x10, s23, s6, $0xb8;
	[tilespmem:$0x11000] =	vst v63  }
0x75: {  	s30 =	simm.s32 $0xF80;
	s25 =	simm.s32 $0xC80;
	s26 =	simm.s32 $0xD800  }
0x76: {  	[tilespmem:s26], [sflag:$0x1] =	stream.indirect.gather [hbm4b:s4+s6], $0x10, s25, s6, $0xb8;
	[tilespmem:$0x11000] =	vst v63  }
0x77: {  	s31 =	simm.s32 $0x10800;
	s1 =	sadd.s32 $0xFFFFFFFF, s0;
	s25 =	simm.s32 $0x1  }
.LBB2_1:
0x78: {  	s0 =	simm.s32 $0xD00;
	s7 =	simm.s32 $0xE000  }
0x79: {  	[tilespmem:s7], [sflag:$0x1] =	stream.indirect.gather [hbm4b:s4+s6], $0x10, s0, s6, $0xb8;
	[tilespmem:$0x11000] =	vst v63  }
0x7a: {  	s14 =	simm.s32 $0xD80;
	s15 =	simm.s32 $0xE800  }
0x7b: {  	[tilespmem:s15], [sflag:$0x1] =	stream.indirect.gather [hbm4b:s4+s6], $0x10, s14, s6, $0xb8;
	[tilespmem:$0x11000] =	vst v63  }
0x7c: {  	s16 =	simm.s32 $0xE00;
	s17 =	simm.s32 $0xF000  }
0x7d: {  	[tilespmem:s17], [sflag:$0x1] =	stream.indirect.gather [hbm4b:s4+s6], $0x10, s16, s6, $0xb8;
	[tilespmem:$0x11000] =	vst v63  }
0x7e: {  	s18 =	simm.s32 $0xE80;
	s19 =	simm.s32 $0xF800  }
0x7f: {  	[tilespmem:s19], [sflag:$0x1] =	stream.indirect.gather [hbm4b:s4+s6], $0x10, s18, s6, $0xb8;
	[tilespmem:$0x11000] =	vst v63  }
0x80: {  	s20 =	simm.s32 $0xF00;
	s21 =	simm.s32 $0x10000  }
0x81: {  	[tilespmem:s21], [sflag:$0x1] =	stream.indirect.gather [hbm4b:s4+s6], $0x10, s20, s6, $0xb8;
	[tilespmem:$0x11000] =	vst v63  }
0x82: {  	_ = 	snop  }
0x83: {  	[tilespmem:s31], [sflag:$0x1] =	stream.indirect.gather [hbm4b:s4+s6], $0x10, s30, s6, $0xb8;
	[tilespmem:$0x11000] =	vst v63  }
0x84: {  	_ =	swait.ge [sflag:s25], $0x10000  }
0x85: {  	[sflag:s25] =	ssyncset.done $0x0  }
0x86: {  	s22 =	rddreg [dreg:$0x4];
	[sflag:s25] =	ssyncadd.s32 $0xFFFF0000  }
0x87: {  	[hbm4b:s22+s2] =	stream.linear.scatter [tilespmem:s5], [sflag:$0x2], $0x10000, $0x38;
	[tilespmem:$0x11000] =	vst v63  }
0x88: {  	_ =	swait.ge [sflag:s3], $0x10000  }
0x89: {  	[sflag:s3] =	ssyncset.done $0x0  }
0x8a: {  	s23 =	rddreg [dreg:$0x3];
	[sflag:s3] =	ssyncadd.s32 $0xFFFF0000  }
0x8b: {  	[tilespmem:s2], [sflag:$0x2] =	stream.linear.gather [hbm4b:s23+s2], $0x1000, $0x38;
	[tilespmem:$0x11000] =	vst v63  }
0x8c: {  	_ =	swait.ge [sflag:s3], $0x1000  }
0x8d: {  	s0 =	sld [smem:$0x7F3]  }
0x8e: {  	s7 =	sld [smem:$0x7F4]  }
0x8f: {  	s8 =	sld [smem:$0x7F5]  }
0x90: {  	s9 =	sld [smem:$0x7F6]  }
0x91: {  	s10 =	sld [smem:$0x7F7]  }
0x92: {  	s11 =	rddreg [dreg:$0x1f]  }
0x93: {  	s12 =	rddreg [dreg:$0x1d]  }
0x94: {  	s13 =	rddreg [dreg:$0x1b]  }
0x95: {  	s14 =	rddreg [dreg:$0x19]  }
0x96: {  	s15 =	rddreg [dreg:$0x17]  }
0x97: {  	s16 =	rddreg [dreg:$0x15]  }
0x98: {  	s17 =	rddreg [dreg:$0x13]  }
0x99: {  	s18 =	rddreg [dreg:$0x11]  }
0x9a: {  	s19 =	rddreg [dreg:$0xf]  }
0x9b: {  	s20 =	rddreg [dreg:$0xd]  }
0x9c: {  	s21 =	rddreg [dreg:$0xb]  }
0x9d: {  	s22 =	rddreg [dreg:$0x6]  }
0x9e: {  	[sflag:s3] =	ssyncset.done $0x0;
	s23 =	rddreg [dreg:$0x5]  }
0x9f: {  	s24 =	rddreg [dreg:$0x7];
	[sflag:s3] =	ssyncadd.s32 $0xFFFFF000  }
0xa0: {  	[tilespmem:s5], [sflag:$0x1] =	stream.indirect.gather [hbm4b:s4+s6], $0x10, s2, s6, $0xb8;
	[tilespmem:$0x11000] =	vst v63  }
0xa1: {  	s26 =	rddreg [dreg:$0x9]  }
0xa2: {  	[tilespmem:s23], [sflag:$0x1] =	stream.indirect.gather [hbm4b:s4+s6], $0x10, s6, s6, $0xb8;
	[tilespmem:$0x11000] =	vst v63  }
0xa3: {  	s23 =	rddreg [dreg:$0x8]  }
0xa4: {  	[tilespmem:s24], [sflag:$0x1] =	stream.indirect.gather [hbm4b:s4+s6], $0x10, s22, s6, $0xb8;
	[tilespmem:$0x11000] =	vst v63  }
0xa5: {  	s24 =	rddreg [dreg:$0xa]  }
0xa6: {  	[tilespmem:s26], [sflag:$0x1] =	stream.indirect.gather [hbm4b:s4+s6], $0x10, s23, s6, $0xb8;
	[tilespmem:$0x11000] =	vst v63  }
0xa7: {  	s22 =	rddreg [dreg:$0xe]  }
0xa8: {  	[tilespmem:s21], [sflag:$0x1] =	stream.indirect.gather [hbm4b:s4+s6], $0x10, s24, s6, $0xb8;
	[tilespmem:$0x11000] =	vst v63  }
0xa9: {  	s26 =	rddreg [dreg:$0xc]  }
0xaa: {  	[tilespmem:s20], [sflag:$0x1] =	stream.indirect.gather [hbm4b:s4+s6], $0x10, s26, s6, $0xb8;
	[tilespmem:$0x11000] =	vst v63  }
0xab: {  	s23 =	rddreg [dreg:$0x10]  }
0xac: {  	[tilespmem:s19], [sflag:$0x1] =	stream.indirect.gather [hbm4b:s4+s6], $0x10, s22, s6, $0xb8;
	[tilespmem:$0x11000] =	vst v63  }
0xad: {  	s24 =	rddreg [dreg:$0x12]  }
0xae: {  	[tilespmem:s18], [sflag:$0x1] =	stream.indirect.gather [hbm4b:s4+s6], $0x10, s23, s6, $0xb8;
	[tilespmem:$0x11000] =	vst v63  }
0xaf: {  	s21 =	rddreg [dreg:$0x1a]  }
0xb0: {  	[tilespmem:s17], [sflag:$0x1] =	stream.indirect.gather [hbm4b:s4+s6], $0x10, s24, s6, $0xb8;
	[tilespmem:$0x11000] =	vst v63  }
0xb1: {  	s26 =	rddreg [dreg:$0x14]  }
0xb2: {  	[tilespmem:s16], [sflag:$0x1] =	stream.indirect.gather [hbm4b:s4+s6], $0x10, s26, s6, $0xb8;
	[tilespmem:$0x11000] =	vst v63  }
0xb3: {  	s19 =	rddreg [dreg:$0x16]  }
0xb4: {  	[tilespmem:s15], [sflag:$0x1] =	stream.indirect.gather [hbm4b:s4+s6], $0x10, s19, s6, $0xb8;
	[tilespmem:$0x11000] =	vst v63  }
0xb5: {  	s20 =	rddreg [dreg:$0x18]  }
0xb6: {  	[tilespmem:s14], [sflag:$0x1] =	stream.indirect.gather [hbm4b:s4+s6], $0x10, s20, s6, $0xb8;
	[tilespmem:$0x11000] =	vst v63  }
0xb7: {  	s22 =	rddreg [dreg:$0x1c]  }
0xb8: {  	[tilespmem:s13], [sflag:$0x1] =	stream.indirect.gather [hbm4b:s4+s6], $0x10, s21, s6, $0xb8;
	[tilespmem:$0x11000] =	vst v63  }
0xb9: {  	s23 =	rddreg [dreg:$0x1e]  }
0xba: {  	[tilespmem:s12], [sflag:$0x1] =	stream.indirect.gather [hbm4b:s4+s6], $0x10, s22, s6, $0xb8;
	[tilespmem:$0x11000] =	vst v63  }
0xbb: {  	s24 =	sld [smem:$0x7F8]  }
0xbc: {  	[tilespmem:s11], [sflag:$0x1] =	stream.indirect.gather [hbm4b:s4+s6], $0x10, s23, s6, $0xb8;
	[tilespmem:$0x11000] =	vst v63  }
0xbd: {  	s26 =	sld [smem:$0x7F9]  }
0xbe: {  	[tilespmem:s10], [sflag:$0x1] =	stream.indirect.gather [hbm4b:s4+s6], $0x10, s24, s6, $0xb8;
	[tilespmem:$0x11000] =	vst v63  }
0xbf: {  	s13 =	sld [smem:$0x7FA]  }
0xc0: {  	[tilespmem:s9], [sflag:$0x1] =	stream.indirect.gather [hbm4b:s4+s6], $0x10, s26, s6, $0xb8;
	[tilespmem:$0x11000] =	vst v63  }
0xc1: {  	s14 =	sld [smem:$0x7FB]  }
0xc2: {  	[tilespmem:s8], [sflag:$0x1] =	stream.indirect.gather [hbm4b:s4+s6], $0x10, s13, s6, $0xb8;
	[tilespmem:$0x11000] =	vst v63  }
0xc3: {  	s15 =	sld [smem:$0x7FC]  }
0xc4: {  	[tilespmem:s7], [sflag:$0x1] =	stream.indirect.gather [hbm4b:s4+s6], $0x10, s14, s6, $0xb8;
	[tilespmem:$0x11000] =	vst v63  }
0xc5: {  	s16 =	sld [smem:$0x7FD]  }
0xc6: {  	[tilespmem:s0], [sflag:$0x1] =	stream.indirect.gather [hbm4b:s4+s6], $0x10, s15, s6, $0xb8;
	[tilespmem:$0x11000] =	vst v63  }
0xc7: {  	s17 =	simm.s32 $0xB000  }
0xc8: {  	[tilespmem:s17], [sflag:$0x1] =	stream.indirect.gather [hbm4b:s4+s6], $0x10, s16, s6, $0xb8;
	[tilespmem:$0x11000] =	vst v63  }
0xc9: {  	s18 =	simm.s32 $0xA80;
	s19 =	simm.s32 $0xB800  }
0xca: {  	[tilespmem:s19], [sflag:$0x1] =	stream.indirect.gather [hbm4b:s4+s6], $0x10, s18, s6, $0xb8;
	[tilespmem:$0x11000] =	vst v63  }
0xcb: {  	s20 =	simm.s32 $0xB00;
	s21 =	simm.s32 $0xC000  }
0xcc: {  	[tilespmem:s21], [sflag:$0x1] =	stream.indirect.gather [hbm4b:s4+s6], $0x10, s20, s6, $0xb8;
	[tilespmem:$0x11000] =	vst v63  }
0xcd: {  	p0 =	sne.s32 s1, $0x1;
	s22 =	simm.s32 $0xB80;
	s23 =	simm.s32 $0xC800  }
0xce: {  	[tilespmem:s23], [sflag:$0x1] =	stream.indirect.gather [hbm4b:s4+s6], $0x10, s22, s6, $0xb8;
	[tilespmem:$0x11000] =	vst v63  }
.Ltmp1:
0xcf: {  	_ = 	snop;
	(pc) =	sbr.rel @p0 .LBB2_1-.Ltmp1, $4  }
0xd0: {  	s24 =	simm.s32 $0xC00;
	s26 =	simm.s32 $0xD000  }
0xd1: {  	[tilespmem:s26], [sflag:$0x1] =	stream.indirect.gather [hbm4b:s4+s6], $0x10, s24, s6, $0xb8;
	[tilespmem:$0x11000] =	vst v63  }
0xd2: {  	s1 =	sadd.s32 $0xFFFFFFFF, s1  }
0xd3: {  	[tilespmem:s29], [sflag:$0x1] =	stream.indirect.gather [hbm4b:s4+s6], $0x10, s28, s6, $0xb8;
	[tilespmem:$0x11000] =	vst v63  }
.LBB2_2:
0xd4: {  	s0 =	simm.s32 $0xD00;
	s1 =	simm.s32 $0xE000  }
0xd5: {  	[tilespmem:s1], [sflag:$0x1] =	stream.indirect.gather [hbm4b:s4+s6], $0x10, s0, s6, $0xb8;
	[tilespmem:$0x11000] =	vst v63  }
0xd6: {  	s20 =	simm.s32 $0xD80;
	s21 =	simm.s32 $0xE800  }
0xd7: {  	[tilespmem:s21], [sflag:$0x1] =	stream.indirect.gather [hbm4b:s4+s6], $0x10, s20, s6, $0xb8;
	[tilespmem:$0x11000] =	vst v63  }
0xd8: {  	s22 =	simm.s32 $0xE00;
	s23 =	simm.s32 $0xF000  }
0xd9: {  	[tilespmem:s23], [sflag:$0x1] =	stream.indirect.gather [hbm4b:s4+s6], $0x10, s22, s6, $0xb8;
	[tilespmem:$0x11000] =	vst v63  }
0xda: {  	s24 =	simm.s32 $0xE80;
	s26 =	simm.s32 $0xF800  }
0xdb: {  	[tilespmem:s26], [sflag:$0x1] =	stream.indirect.gather [hbm4b:s4+s6], $0x10, s24, s6, $0xb8;
	[tilespmem:$0x11000] =	vst v63  }
0xdc: {  	s28 =	simm.s32 $0xF00;
	s29 =	simm.s32 $0x10000  }
0xdd: {  	[tilespmem:s29], [sflag:$0x1] =	stream.indirect.gather [hbm4b:s4+s6], $0x10, s28, s6, $0xb8;
	[tilespmem:$0x11000] =	vst v63  }
0xde: {  	_ = 	snop  }
0xdf: {  	[tilespmem:s31], [sflag:$0x1] =	stream.indirect.gather [hbm4b:s4+s6], $0x10, s30, s6, $0xb8;
	[tilespmem:$0x11000] =	vst v63  }
0xe0: {  	_ =	swait.ge [sflag:s25], $0x10000  }
0xe1: {  	[sflag:s25] =	ssyncset.done $0x0  }
0xe2: {  	s30 =	rddreg [dreg:$0x4];
	[sflag:s25] =	ssyncadd.s32 $0xFFFF0000  }
0xe3: {  	[hbm4b:s30+s2] =	stream.linear.scatter [tilespmem:s5], [sflag:$0x2], $0x10000, $0x38;
	[tilespmem:$0x11000] =	vst v63  }
0xe4: {  	_ =	swait.ge [sflag:s3], $0x10000  }
0xe5: {  	[sflag:s3] =	ssyncset.done $0x0  }
0xe6: {  	[sflag:s3] =	ssyncadd.s32 $0xFFFF0000  }
0xe7: {  	_ =	sfence.sel $0x180000  }
0xe8: {  	[bflag:$0x0] =	sbarrier.arrive $0xFFFF  }
0xe9: {  	_ =	strace $0x90000047  }
0xea: {  	s31 =	stileid.u32;
	[bflag:$0x2] =	sbarrier.arrive $0xFFFF  }
0xeb: {  	p0 =	sne.s32 s31, $0x0;
	s0 =	rddreg [dreg:$0x2]  }
0xec: {  	s0 =	sadd.s32 @!p0 $0x100000, s0  }
0xed: {  	[sflag:s0] =	ssyncadd.tile.s32 @!p0 $0x1;
	_ =	shalt  }
.Lfunc_end2:
_tile_overlayer_lowered:
.L_overlay_start_2:
0xee: {  	(tag) =	ssettag $0x2  }
0xef: {  	s0 =	rddreg [dreg:$0x0];
	s2 =	stileid.u32  }
0xf0: {  	s1 =	rddreg [dreg:$0x1];
	p0 =	sne.s32 s2, $0x0  }
0xf1: {  	s3 =	rddreg [dreg:$0x2];
	[bflag:$0x3] =	sbarrier.arrive $0xFFFF;
	s2 =	simm.s32 @!p0 $0x1C02  }
0xf2: {  	[timem:s3], [sflag:s2] =	dma.local @!p0 [hbm:s0], s1  }
0xf3: {  	s0 =	simm.s32 @!p0 $0x2  }
0xf4: {  	_ =	swait.ge @!p0 [sflag:s0], s1  }
0xf5: {  	s1 =	ssub.s32 @!p0 $0x0, s1;
	[sflag:s0] =	ssyncset.done @!p0 $0x0  }
0xf6: {  	[sflag:s0] =	ssyncadd.s32 @!p0 s1  }
0xf7: {  	[bflag:$0x3] =	sbarrier.arrive $0xFFFF  }
0xf8: {  	_ =	shalt  }

</sc_bundles>
